<compile_context>
chip_gen: v7x
topology: tpu7x:2x2x1
jax: 0.10.2.dev20260603
libtpu: 0.0.44.dev20260713+nightly
codegen_flags: <defaults>
</compile_context>

<pallas_src>
import jax
import jax.numpy as jnp
from jax import lax
from jax.experimental import pallas as pl
from jax.experimental.pallas import tpu as pltpu
from jax.experimental.pallas import tpu_sc as plsc

_INFO = plsc.get_sparse_core_info()
_NC = _INFO.num_cores
_NS = _INFO.num_subcores
_NW = _NC * _NS

_B = 4096 * 8
_D = 256
_BPW = _B // _NW
_C = 32
_NCHUNK = _BPW // _C
_NBUF = 14
_LAG = 12


def _gather_body(x_hbm, idx_hbm, out_hbm, idx_v, *rest):
  bufs = rest[:_NBUF]
  gsems = rest[_NBUF:2 * _NBUF]
  osems = rest[2 * _NBUF:]

  wid = lax.axis_index("s") * _NC + lax.axis_index("c")
  base = wid * _BPW

  head = _LAG * _C
  pltpu.sync_copy(idx_hbm.at[pl.ds(base, head)], idx_v.at[pl.ds(0, head)])

  def start_gather(g):
    b = g % _NBUF
    return pltpu.async_copy(
        x_hbm.at[idx_v.at[pl.ds(g * _C, _C)]], bufs[b], gsems[b])

  gathers = [None] * _NCHUNK
  writes = [None] * _NCHUNK
  for g in range(min(_LAG, _NCHUNK)):
    gathers[g] = start_gather(g)
  pltpu.sync_copy(idx_hbm.at[pl.ds(base + head, _BPW - head)],
                  idx_v.at[pl.ds(head, _BPW - head)])
  for g in range(_NCHUNK):
    gathers[g].wait()
    writes[g] = pltpu.async_copy(
        bufs[g % _NBUF], out_hbm.at[pl.ds(base + g * _C, _C)],
        osems[g % _NBUF])
    h = g + _LAG
    if h < _NCHUNK:
      if h - _NBUF >= 0:
        writes[h - _NBUF].wait()
      gathers[h] = start_gather(h)
  for g in range(max(0, _NCHUNK - _NBUF), _NCHUNK):
    writes[g].wait()


@jax.jit
def _pooled_gather(x, idx):
  mesh = plsc.VectorSubcoreMesh(core_axis_name="c", subcore_axis_name="s")
  return pl.kernel(
      _gather_body,
      out_type=jax.ShapeDtypeStruct((_B, _D), jnp.float32),
      mesh=mesh,
      scratch_types=(
          [pltpu.VMEM((_BPW,), jnp.int32)]
          + [pltpu.VMEM((_C, _D), jnp.float32)] * _NBUF
          + [pltpu.SemaphoreType.DMA] * (2 * _NBUF)
      ),
  )(x, idx)


def kernel(x, pooling_mask):
  return _pooled_gather(x, pooling_mask.reshape(-1))

# --- scband reference (transcript-rebuilt; emitter-appended) ---
"""Pipeline reference for scband-site-pooling-48421461295282 (READ-ONLY COPY).

The authoritative reference and input builder live on the scoring server;
editing this copy changes nothing except your own understanding.
"""

import jax, jax.numpy as jnp
import numpy as np


def setup_inputs(seed: int = 0) -> dict:
    key = jax.random.key(seed)
    k1, k2 = jax.random.split(key)
    x = jax.random.normal(k1, (50000, 256), dtype=jnp.float32)
    pooling_mask = jax.random.randint(k2, (4096, 8), 0, 50000, dtype=jnp.int32)
    return {"x": x, "pooling_mask": pooling_mask}


def reference(x, pooling_mask):
    # Original torch forward flattens the nested index groups and gathers rows:
    #   indices = [idx for group in pooling_mask for idx in group]
    #   return x[indices]
    indices = pooling_mask.reshape(-1)
    return jnp.take(x, indices, axis=0)

if __name__ == "__main__":
    import jax
    _d = setup_inputs()
    print(jax.jit(kernel)(*tuple(_d.values())))

</pallas_src>

<mosaic_0001>
#map = affine_map<(d0, d1) -> (0, 0)>
#map1 = affine_map<(d0, d1) -> (0)>
module attributes {stable_mosaic.version = 14 : i64} {
  func.func @_gather_body(%arg0: i32, %arg1: i32, %arg2: memref<50000x256xf32, #tpu.memory_space<hbm>>, %arg3: memref<32768xi32, #tpu.memory_space<hbm>>, %arg4: memref<32768x256xf32, #tpu.memory_space<hbm>>, %arg5: memref<1024xi32, #tpu.memory_space<vmem>>, %arg6: memref<32x256xf32, #tpu.memory_space<vmem>>, %arg7: memref<32x256xf32, #tpu.memory_space<vmem>>, %arg8: memref<32x256xf32, #tpu.memory_space<vmem>>, %arg9: memref<32x256xf32, #tpu.memory_space<vmem>>, %arg10: memref<32x256xf32, #tpu.memory_space<vmem>>, %arg11: memref<32x256xf32, #tpu.memory_space<vmem>>, %arg12: memref<32x256xf32, #tpu.memory_space<vmem>>, %arg13: memref<32x256xf32, #tpu.memory_space<vmem>>, %arg14: memref<32x256xf32, #tpu.memory_space<vmem>>, %arg15: memref<32x256xf32, #tpu.memory_space<vmem>>, %arg16: memref<32x256xf32, #tpu.memory_space<vmem>>, %arg17: memref<32x256xf32, #tpu.memory_space<vmem>>, %arg18: memref<32x256xf32, #tpu.memory_space<vmem>>, %arg19: memref<32x256xf32, #tpu.memory_space<vmem>>, %arg20: memref<!tpu.dma_semaphore, #tpu.memory_space<semaphore_mem>>, %arg21: memref<!tpu.dma_semaphore, #tpu.memory_space<semaphore_mem>>, %arg22: memref<!tpu.dma_semaphore, #tpu.memory_space<semaphore_mem>>, %arg23: memref<!tpu.dma_semaphore, #tpu.memory_space<semaphore_mem>>, %arg24: memref<!tpu.dma_semaphore, #tpu.memory_space<semaphore_mem>>, %arg25: memref<!tpu.dma_semaphore, #tpu.memory_space<semaphore_mem>>, %arg26: memref<!tpu.dma_semaphore, #tpu.memory_space<semaphore_mem>>, %arg27: memref<!tpu.dma_semaphore, #tpu.memory_space<semaphore_mem>>, %arg28: memref<!tpu.dma_semaphore, #tpu.memory_space<semaphore_mem>>, %arg29: memref<!tpu.dma_semaphore, #tpu.memory_space<semaphore_mem>>, %arg30: memref<!tpu.dma_semaphore, #tpu.memory_space<semaphore_mem>>, %arg31: memref<!tpu.dma_semaphore, #tpu.memory_space<semaphore_mem>>, %arg32: memref<!tpu.dma_semaphore, #tpu.memory_space<semaphore_mem>>, %arg33: memref<!tpu.dma_semaphore, #tpu.memory_space<semaphore_mem>>, %arg34: memref<!tpu.dma_semaphore, #tpu.memory_space<semaphore_mem>>, %arg35: memref<!tpu.dma_semaphore, #tpu.memory_space<semaphore_mem>>, %arg36: memref<!tpu.dma_semaphore, #tpu.memory_space<semaphore_mem>>, %arg37: memref<!tpu.dma_semaphore, #tpu.memory_space<semaphore_mem>>, %arg38: memref<!tpu.dma_semaphore, #tpu.memory_space<semaphore_mem>>, %arg39: memref<!tpu.dma_semaphore, #tpu.memory_space<semaphore_mem>>, %arg40: memref<!tpu.dma_semaphore, #tpu.memory_space<semaphore_mem>>, %arg41: memref<!tpu.dma_semaphore, #tpu.memory_space<semaphore_mem>>, %arg42: memref<!tpu.dma_semaphore, #tpu.memory_space<semaphore_mem>>, %arg43: memref<!tpu.dma_semaphore, #tpu.memory_space<semaphore_mem>>, %arg44: memref<!tpu.dma_semaphore, #tpu.memory_space<semaphore_mem>>, %arg45: memref<!tpu.dma_semaphore, #tpu.memory_space<semaphore_mem>>, %arg46: memref<!tpu.dma_semaphore, #tpu.memory_space<semaphore_mem>>, %arg47: memref<!tpu.dma_semaphore, #tpu.memory_space<semaphore_mem>>) attributes {dimension_semantics = [#tpu.dimension_semantics<core_parallel>, #tpu.dimension_semantics<subcore_parallel>], iteration_bounds = array<i64: 2, 16>, scalar_prefetch = 0 : i64, scratch_operands = 43 : i64, tpu.core_type = #tpu.core_type<sc_vector_subcore>, window_params = [{transform_indices = #map}, {transform_indices = #map1}, {transform_indices = #map}]} {
    %mul3A = arith.constant 2 : i32
    %mul3A_0 = arith.muli %arg1, %mul3A : i32
    %add3A = arith.addi %mul3A_0, %arg0 : i32
    %mul3A_1 = arith.constant 1024 : i32
    %mul3A_2 = arith.muli %add3A, %mul3A_1 : i32
    "tpu.region"() ({
      %run_scoped3A = tpu.sem_alloc : memref<!tpu.dma_semaphore, #tpu.memory_space<semaphore_mem>>
      %dma_start3A_643 = arith.constant 0 : i32
      %dma_start3A_644 = tpu.memref_slice %arg5[%dma_start3A_643] : memref<1024xi32, #tpu.memory_space<vmem>> -> memref<384xi32, #tpu.memory_space<vmem>>
      %dma_start3A_645 = tpu.memref_slice %arg3[%mul3A_2] : memref<32768xi32, #tpu.memory_space<hbm>> -> memref<384xi32, #tpu.memory_space<hbm>>
      %dma_start3A_646 = arith.constant 0 : i32
      %dma_start3A_647 = tpu.memref_slice %arg5[%dma_start3A_646] : memref<1024xi32, #tpu.memory_space<vmem>> -> memref<384xi32, #tpu.memory_space<vmem>>
      %dma_start3A_648 = tpu.memref_slice %arg3[%mul3A_2] : memref<32768xi32, #tpu.memory_space<hbm>> -> memref<384xi32, #tpu.memory_space<hbm>>
      tpu.enqueue_dma source(%dma_start3A_648 : memref<384xi32, #tpu.memory_space<hbm>>) target(%dma_start3A_647 : memref<384xi32, #tpu.memory_space<vmem>>) target_semaphore(%run_scoped3A : memref<!tpu.dma_semaphore, #tpu.memory_space<semaphore_mem>>)
      %dma_wait3A_649 = arith.constant 0 : i32
      %dma_wait3A_650 = tpu.memref_slice %arg5[%dma_wait3A_649] : memref<1024xi32, #tpu.memory_space<vmem>> -> memref<384xi32, #tpu.memory_space<vmem>>
      %dma_wait3A_651 = tpu.memref_slice %arg3[%mul3A_2] : memref<32768xi32, #tpu.memory_space<hbm>> -> memref<384xi32, #tpu.memory_space<hbm>>
      %dma_wait3A_652 = arith.constant 0 : i32
      %dma_wait3A_653 = tpu.memref_slice %arg5[%dma_wait3A_652] : memref<1024xi32, #tpu.memory_space<vmem>> -> memref<384xi32, #tpu.memory_space<vmem>>
      %dma_wait3A_654 = tpu.memref_slice %arg3[%mul3A_2] : memref<32768xi32, #tpu.memory_space<hbm>> -> memref<384xi32, #tpu.memory_space<hbm>>
      tpu.wait_dma2 semaphore(%run_scoped3A : memref<!tpu.dma_semaphore, #tpu.memory_space<semaphore_mem>>) src(%dma_wait3A_654 : memref<384xi32, #tpu.memory_space<hbm>>) dst(%dma_wait3A_653 : memref<384xi32, #tpu.memory_space<vmem>>)
      tpu.yield
    }) : () -> ()
    %dma_start3A = arith.constant 0 : i32
    %dma_start3A_3 = tpu.memref_slice %arg5[%dma_start3A] : memref<1024xi32, #tpu.memory_space<vmem>> -> memref<32xi32, #tpu.memory_space<vmem>>
    %dma_start3A_4 = arith.constant 0 : i32
    %dma_start3A_5 = arith.constant 0 : i32
    %dma_start3A_6 = tpu.memref_slice %arg2[%dma_start3A_4, %dma_start3A_5] : memref<50000x256xf32, #tpu.memory_space<hbm>> -> memref<50000x256xf32, #tpu.memory_space<hbm>>
    tpu.enqueue_indirect_dma source(%dma_start3A_6 : memref<50000x256xf32, #tpu.memory_space<hbm>>) target(%arg6 : memref<32x256xf32, #tpu.memory_space<vmem>>) offsets(%dma_start3A_3 : memref<32xi32, #tpu.memory_space<vmem>>) semaphore(%arg20 : memref<!tpu.dma_semaphore, #tpu.memory_space<semaphore_mem>>)
    %dma_start3A_7 = arith.constant 32 : i32
    %dma_start3A_8 = tpu.memref_slice %arg5[%dma_start3A_7] : memref<1024xi32, #tpu.memory_space<vmem>> -> memref<32xi32, #tpu.memory_space<vmem>>
    %dma_start3A_9 = arith.constant 0 : i32
    %dma_start3A_10 = arith.constant 0 : i32
    %dma_start3A_11 = tpu.memref_slice %arg2[%dma_start3A_9, %dma_start3A_10] : memref<50000x256xf32, #tpu.memory_space<hbm>> -> memref<50000x256xf32, #tpu.memory_space<hbm>>
    tpu.enqueue_indirect_dma source(%dma_start3A_11 : memref<50000x256xf32, #tpu.memory_space<hbm>>) target(%arg7 : memref<32x256xf32, #tpu.memory_space<vmem>>) offsets(%dma_start3A_8 : memref<32xi32, #tpu.memory_space<vmem>>) semaphore(%arg21 : memref<!tpu.dma_semaphore, #tpu.memory_space<semaphore_mem>>)
    %dma_start3A_12 = arith.constant 64 : i32
    %dma_start3A_13 = tpu.memref_slice %arg5[%dma_start3A_12] : memref<1024xi32, #tpu.memory_space<vmem>> -> memref<32xi32, #tpu.memory_space<vmem>>
    %dma_start3A_14 = arith.constant 0 : i32
    %dma_start3A_15 = arith.constant 0 : i32
    %dma_start3A_16 = tpu.memref_slice %arg2[%dma_start3A_14, %dma_start3A_15] : memref<50000x256xf32, #tpu.memory_space<hbm>> -> memref<50000x256xf32, #tpu.memory_space<hbm>>
    tpu.enqueue_indirect_dma source(%dma_start3A_16 : memref<50000x256xf32, #tpu.memory_space<hbm>>) target(%arg8 : memref<32x256xf32, #tpu.memory_space<vmem>>) offsets(%dma_start3A_13 : memref<32xi32, #tpu.memory_space<vmem>>) semaphore(%arg22 : memref<!tpu.dma_semaphore, #tpu.memory_space<semaphore_mem>>)
    %dma_start3A_17 = arith.constant 96 : i32
    %dma_start3A_18 = tpu.memref_slice %arg5[%dma_start3A_17] : memref<1024xi32, #tpu.memory_space<vmem>> -> memref<32xi32, #tpu.memory_space<vmem>>
    %dma_start3A_19 = arith.constant 0 : i32
    %dma_start3A_20 = arith.constant 0 : i32
    %dma_start3A_21 = tpu.memref_slice %arg2[%dma_start3A_19, %dma_start3A_20] : memref<50000x256xf32, #tpu.memory_space<hbm>> -> memref<50000x256xf32, #tpu.memory_space<hbm>>
    tpu.enqueue_indirect_dma source(%dma_start3A_21 : memref<50000x256xf32, #tpu.memory_space<hbm>>) target(%arg9 : memref<32x256xf32, #tpu.memory_space<vmem>>) offsets(%dma_start3A_18 : memref<32xi32, #tpu.memory_space<vmem>>) semaphore(%arg23 : memref<!tpu.dma_semaphore, #tpu.memory_space<semaphore_mem>>)
    %dma_start3A_22 = arith.constant 128 : i32
    %dma_start3A_23 = tpu.memref_slice %arg5[%dma_start3A_22] : memref<1024xi32, #tpu.memory_space<vmem>> -> memref<32xi32, #tpu.memory_space<vmem>>
    %dma_start3A_24 = arith.constant 0 : i32
    %dma_start3A_25 = arith.constant 0 : i32
    %dma_start3A_26 = tpu.memref_slice %arg2[%dma_start3A_24, %dma_start3A_25] : memref<50000x256xf32, #tpu.memory_space<hbm>> -> memref<50000x256xf32, #tpu.memory_space<hbm>>
    tpu.enqueue_indirect_dma source(%dma_start3A_26 : memref<50000x256xf32, #tpu.memory_space<hbm>>) target(%arg10 : memref<32x256xf32, #tpu.memory_space<vmem>>) offsets(%dma_start3A_23 : memref<32xi32, #tpu.memory_space<vmem>>) semaphore(%arg24 : memref<!tpu.dma_semaphore, #tpu.memory_space<semaphore_mem>>)
    %dma_start3A_27 = arith.constant 160 : i32
    %dma_start3A_28 = tpu.memref_slice %arg5[%dma_start3A_27] : memref<1024xi32, #tpu.memory_space<vmem>> -> memref<32xi32, #tpu.memory_space<vmem>>
    %dma_start3A_29 = arith.constant 0 : i32
    %dma_start3A_30 = arith.constant 0 : i32
    %dma_start3A_31 = tpu.memref_slice %arg2[%dma_start3A_29, %dma_start3A_30] : memref<50000x256xf32, #tpu.memory_space<hbm>> -> memref<50000x256xf32, #tpu.memory_space<hbm>>
    tpu.enqueue_indirect_dma source(%dma_start3A_31 : memref<50000x256xf32, #tpu.memory_space<hbm>>) target(%arg11 : memref<32x256xf32, #tpu.memory_space<vmem>>) offsets(%dma_start3A_28 : memref<32xi32, #tpu.memory_space<vmem>>) semaphore(%arg25 : memref<!tpu.dma_semaphore, #tpu.memory_space<semaphore_mem>>)
    %dma_start3A_32 = arith.constant 192 : i32
    %dma_start3A_33 = tpu.memref_slice %arg5[%dma_start3A_32] : memref<1024xi32, #tpu.memory_space<vmem>> -> memref<32xi32, #tpu.memory_space<vmem>>
    %dma_start3A_34 = arith.constant 0 : i32
    %dma_start3A_35 = arith.constant 0 : i32
    %dma_start3A_36 = tpu.memref_slice %arg2[%dma_start3A_34, %dma_start3A_35] : memref<50000x256xf32, #tpu.memory_space<hbm>> -> memref<50000x256xf32, #tpu.memory_space<hbm>>
    tpu.enqueue_indirect_dma source(%dma_start3A_36 : memref<50000x256xf32, #tpu.memory_space<hbm>>) target(%arg12 : memref<32x256xf32, #tpu.memory_space<vmem>>) offsets(%dma_start3A_33 : memref<32xi32, #tpu.memory_space<vmem>>) semaphore(%arg26 : memref<!tpu.dma_semaphore, #tpu.memory_space<semaphore_mem>>)
    %dma_start3A_37 = arith.constant 224 : i32
    %dma_start3A_38 = tpu.memref_slice %arg5[%dma_start3A_37] : memref<1024xi32, #tpu.memory_space<vmem>> -> memref<32xi32, #tpu.memory_space<vmem>>
    %dma_start3A_39 = arith.constant 0 : i32
    %dma_start3A_40 = arith.constant 0 : i32
    %dma_start3A_41 = tpu.memref_slice %arg2[%dma_start3A_39, %dma_start3A_40] : memref<50000x256xf32, #tpu.memory_space<hbm>> -> memref<50000x256xf32, #tpu.memory_space<hbm>>
    tpu.enqueue_indirect_dma source(%dma_start3A_41 : memref<50000x256xf32, #tpu.memory_space<hbm>>) target(%arg13 : memref<32x256xf32, #tpu.memory_space<vmem>>) offsets(%dma_start3A_38 : memref<32xi32, #tpu.memory_space<vmem>>) semaphore(%arg27 : memref<!tpu.dma_semaphore, #tpu.memory_space<semaphore_mem>>)
    %dma_start3A_42 = arith.constant 256 : i32
    %dma_start3A_43 = tpu.memref_slice %arg5[%dma_start3A_42] : memref<1024xi32, #tpu.memory_space<vmem>> -> memref<32xi32, #tpu.memory_space<vmem>>
    %dma_start3A_44 = arith.constant 0 : i32
    %dma_start3A_45 = arith.constant 0 : i32
    %dma_start3A_46 = tpu.memref_slice %arg2[%dma_start3A_44, %dma_start3A_45] : memref<50000x256xf32, #tpu.memory_space<hbm>> -> memref<50000x256xf32, #tpu.memory_space<hbm>>
    tpu.enqueue_indirect_dma source(%dma_start3A_46 : memref<50000x256xf32, #tpu.memory_space<hbm>>) target(%arg14 : memref<32x256xf32, #tpu.memory_space<vmem>>) offsets(%dma_start3A_43 : memref<32xi32, #tpu.memory_space<vmem>>) semaphore(%arg28 : memref<!tpu.dma_semaphore, #tpu.memory_space<semaphore_mem>>)
    %dma_start3A_47 = arith.constant 288 : i32
    %dma_start3A_48 = tpu.memref_slice %arg5[%dma_start3A_47] : memref<1024xi32, #tpu.memory_space<vmem>> -> memref<32xi32, #tpu.memory_space<vmem>>
    %dma_start3A_49 = arith.constant 0 : i32
    %dma_start3A_50 = arith.constant 0 : i32
    %dma_start3A_51 = tpu.memref_slice %arg2[%dma_start3A_49, %dma_start3A_50] : memref<50000x256xf32, #tpu.memory_space<hbm>> -> memref<50000x256xf32, #tpu.memory_space<hbm>>
    tpu.enqueue_indirect_dma source(%dma_start3A_51 : memref<50000x256xf32, #tpu.memory_space<hbm>>) target(%arg15 : memref<32x256xf32, #tpu.memory_space<vmem>>) offsets(%dma_start3A_48 : memref<32xi32, #tpu.memory_space<vmem>>) semaphore(%arg29 : memref<!tpu.dma_semaphore, #tpu.memory_space<semaphore_mem>>)
    %dma_start3A_52 = arith.constant 320 : i32
    %dma_start3A_53 = tpu.memref_slice %arg5[%dma_start3A_52] : memref<1024xi32, #tpu.memory_space<vmem>> -> memref<32xi32, #tpu.memory_space<vmem>>
    %dma_start3A_54 = arith.constant 0 : i32
    %dma_start3A_55 = arith.constant 0 : i32
    %dma_start3A_56 = tpu.memref_slice %arg2[%dma_start3A_54, %dma_start3A_55] : memref<50000x256xf32, #tpu.memory_space<hbm>> -> memref<50000x256xf32, #tpu.memory_space<hbm>>
    tpu.enqueue_indirect_dma source(%dma_start3A_56 : memref<50000x256xf32, #tpu.memory_space<hbm>>) target(%arg16 : memref<32x256xf32, #tpu.memory_space<vmem>>) offsets(%dma_start3A_53 : memref<32xi32, #tpu.memory_space<vmem>>) semaphore(%arg30 : memref<!tpu.dma_semaphore, #tpu.memory_space<semaphore_mem>>)
    %dma_start3A_57 = arith.constant 352 : i32
    %dma_start3A_58 = tpu.memref_slice %arg5[%dma_start3A_57] : memref<1024xi32, #tpu.memory_space<vmem>> -> memref<32xi32, #tpu.memory_space<vmem>>
    %dma_start3A_59 = arith.constant 0 : i32
    %dma_start3A_60 = arith.constant 0 : i32
    %dma_start3A_61 = tpu.memref_slice %arg2[%dma_start3A_59, %dma_start3A_60] : memref<50000x256xf32, #tpu.memory_space<hbm>> -> memref<50000x256xf32, #tpu.memory_space<hbm>>
    tpu.enqueue_indirect_dma source(%dma_start3A_61 : memref<50000x256xf32, #tpu.memory_space<hbm>>) target(%arg17 : memref<32x256xf32, #tpu.memory_space<vmem>>) offsets(%dma_start3A_58 : memref<32xi32, #tpu.memory_space<vmem>>) semaphore(%arg31 : memref<!tpu.dma_semaphore, #tpu.memory_space<semaphore_mem>>)
    %add3A_62 = arith.constant 384 : i32
    %add3A_63 = arith.addi %mul3A_2, %add3A_62 : i32
    "tpu.region"() ({
      %run_scoped3A = tpu.sem_alloc : memref<!tpu.dma_semaphore, #tpu.memory_space<semaphore_mem>>
      %dma_start3A_643 = arith.constant 384 : i32
      %dma_start3A_644 = tpu.memref_slice %arg5[%dma_start3A_643] : memref<1024xi32, #tpu.memory_space<vmem>> -> memref<640xi32, #tpu.memory_space<vmem>>
      %dma_start3A_645 = tpu.memref_slice %arg3[%add3A_63] : memref<32768xi32, #tpu.memory_space<hbm>> -> memref<640xi32, #tpu.memory_space<hbm>>
      %dma_start3A_646 = arith.constant 384 : i32
      %dma_start3A_647 = tpu.memref_slice %arg5[%dma_start3A_646] : memref<1024xi32, #tpu.memory_space<vmem>> -> memref<640xi32, #tpu.memory_space<vmem>>
      %dma_start3A_648 = tpu.memref_slice %arg3[%add3A_63] : memref<32768xi32, #tpu.memory_space<hbm>> -> memref<640xi32, #tpu.memory_space<hbm>>
      tpu.enqueue_dma source(%dma_start3A_648 : memref<640xi32, #tpu.memory_space<hbm>>) target(%dma_start3A_647 : memref<640xi32, #tpu.memory_space<vmem>>) target_semaphore(%run_scoped3A : memref<!tpu.dma_semaphore, #tpu.memory_space<semaphore_mem>>)
      %dma_wait3A_649 = arith.constant 384 : i32
      %dma_wait3A_650 = tpu.memref_slice %arg5[%dma_wait3A_649] : memref<1024xi32, #tpu.memory_space<vmem>> -> memref<640xi32, #tpu.memory_space<vmem>>
      %dma_wait3A_651 = tpu.memref_slice %arg3[%add3A_63] : memref<32768xi32, #tpu.memory_space<hbm>> -> memref<640xi32, #tpu.memory_space<hbm>>
      %dma_wait3A_652 = arith.constant 384 : i32
      %dma_wait3A_653 = tpu.memref_slice %arg5[%dma_wait3A_652] : memref<1024xi32, #tpu.memory_space<vmem>> -> memref<640xi32, #tpu.memory_space<vmem>>
      %dma_wait3A_654 = tpu.memref_slice %arg3[%add3A_63] : memref<32768xi32, #tpu.memory_space<hbm>> -> memref<640xi32, #tpu.memory_space<hbm>>
      tpu.wait_dma2 semaphore(%run_scoped3A : memref<!tpu.dma_semaphore, #tpu.memory_space<semaphore_mem>>) src(%dma_wait3A_654 : memref<640xi32, #tpu.memory_space<hbm>>) dst(%dma_wait3A_653 : memref<640xi32, #tpu.memory_space<vmem>>)
      tpu.yield
    }) : () -> ()
    %dma_wait3A = arith.constant 0 : i32
    %dma_wait3A_64 = tpu.memref_slice %arg5[%dma_wait3A] : memref<1024xi32, #tpu.memory_space<vmem>> -> memref<32xi32, #tpu.memory_space<vmem>>
    %dma_wait3A_65 = arith.constant 0 : i32
    %dma_wait3A_66 = arith.constant 0 : i32
    %dma_wait3A_67 = tpu.memref_slice %arg2[%dma_wait3A_65, %dma_wait3A_66] : memref<50000x256xf32, #tpu.memory_space<hbm>> -> memref<50000x256xf32, #tpu.memory_space<hbm>>
    tpu.wait_indirect_dma semaphore(%arg20 : memref<!tpu.dma_semaphore, #tpu.memory_space<semaphore_mem>>) src(%dma_wait3A_67 : memref<50000x256xf32, #tpu.memory_space<hbm>>) dst(%arg6 : memref<32x256xf32, #tpu.memory_space<vmem>>)
    %add3A_68 = arith.constant 0 : i32
    %add3A_69 = arith.addi %mul3A_2, %add3A_68 : i32
    %dma_start3A_70 = arith.constant 0 : i32
    %dma_start3A_71 = tpu.memref_slice %arg4[%add3A_69, %dma_start3A_70] : memref<32768x256xf32, #tpu.memory_space<hbm>> -> memref<32x256xf32, #tpu.memory_space<hbm>>
    %dma_start3A_72 = arith.constant 0 : i32
    %dma_start3A_73 = tpu.memref_slice %arg4[%add3A_69, %dma_start3A_72] : memref<32768x256xf32, #tpu.memory_space<hbm>> -> memref<32x256xf32, #tpu.memory_space<hbm>>
    tpu.enqueue_dma source(%arg6 : memref<32x256xf32, #tpu.memory_space<vmem>>) target(%dma_start3A_73 : memref<32x256xf32, #tpu.memory_space<hbm>>) target_semaphore(%arg34 : memref<!tpu.dma_semaphore, #tpu.memory_space<semaphore_mem>>)
    %dma_start3A_74 = arith.constant 384 : i32
    %dma_start3A_75 = tpu.memref_slice %arg5[%dma_start3A_74] : memref<1024xi32, #tpu.memory_space<vmem>> -> memref<32xi32, #tpu.memory_space<vmem>>
    %dma_start3A_76 = arith.constant 0 : i32
    %dma_start3A_77 = arith.constant 0 : i32
    %dma_start3A_78 = tpu.memref_slice %arg2[%dma_start3A_76, %dma_start3A_77] : memref<50000x256xf32, #tpu.memory_space<hbm>> -> memref<50000x256xf32, #tpu.memory_space<hbm>>
    tpu.enqueue_indirect_dma source(%dma_start3A_78 : memref<50000x256xf32, #tpu.memory_space<hbm>>) target(%arg18 : memref<32x256xf32, #tpu.memory_space<vmem>>) offsets(%dma_start3A_75 : memref<32xi32, #tpu.memory_space<vmem>>) semaphore(%arg32 : memref<!tpu.dma_semaphore, #tpu.memory_space<semaphore_mem>>)
    %dma_wait3A_79 = arith.constant 32 : i32
    %dma_wait3A_80 = tpu.memref_slice %arg5[%dma_wait3A_79] : memref<1024xi32, #tpu.memory_space<vmem>> -> memref<32xi32, #tpu.memory_space<vmem>>
    %dma_wait3A_81 = arith.constant 0 : i32
    %dma_wait3A_82 = arith.constant 0 : i32
    %dma_wait3A_83 = tpu.memref_slice %arg2[%dma_wait3A_81, %dma_wait3A_82] : memref<50000x256xf32, #tpu.memory_space<hbm>> -> memref<50000x256xf32, #tpu.memory_space<hbm>>
    tpu.wait_indirect_dma semaphore(%arg21 : memref<!tpu.dma_semaphore, #tpu.memory_space<semaphore_mem>>) src(%dma_wait3A_83 : memref<50000x256xf32, #tpu.memory_space<hbm>>) dst(%arg7 : memref<32x256xf32, #tpu.memory_space<vmem>>)
    %add3A_84 = arith.constant 32 : i32
    %add3A_85 = arith.addi %mul3A_2, %add3A_84 : i32
    %dma_start3A_86 = arith.constant 0 : i32
    %dma_start3A_87 = tpu.memref_slice %arg4[%add3A_85, %dma_start3A_86] : memref<32768x256xf32, #tpu.memory_space<hbm>> -> memref<32x256xf32, #tpu.memory_space<hbm>>
    %dma_start3A_88 = arith.constant 0 : i32
    %dma_start3A_89 = tpu.memref_slice %arg4[%add3A_85, %dma_start3A_88] : memref<32768x256xf32, #tpu.memory_space<hbm>> -> memref<32x256xf32, #tpu.memory_space<hbm>>
    tpu.enqueue_dma source(%arg7 : memref<32x256xf32, #tpu.memory_space<vmem>>) target(%dma_start3A_89 : memref<32x256xf32, #tpu.memory_space<hbm>>) target_semaphore(%arg35 : memref<!tpu.dma_semaphore, #tpu.memory_space<semaphore_mem>>)
    %dma_start3A_90 = arith.constant 416 : i32
    %dma_start3A_91 = tpu.memref_slice %arg5[%dma_start3A_90] : memref<1024xi32, #tpu.memory_space<vmem>> -> memref<32xi32, #tpu.memory_space<vmem>>
    %dma_start3A_92 = arith.constant 0 : i32
    %dma_start3A_93 = arith.constant 0 : i32
    %dma_start3A_94 = tpu.memref_slice %arg2[%dma_start3A_92, %dma_start3A_93] : memref<50000x256xf32, #tpu.memory_space<hbm>> -> memref<50000x256xf32, #tpu.memory_space<hbm>>
    tpu.enqueue_indirect_dma source(%dma_start3A_94 : memref<50000x256xf32, #tpu.memory_space<hbm>>) target(%arg19 : memref<32x256xf32, #tpu.memory_space<vmem>>) offsets(%dma_start3A_91 : memref<32xi32, #tpu.memory_space<vmem>>) semaphore(%arg33 : memref<!tpu.dma_semaphore, #tpu.memory_space<semaphore_mem>>)
    %dma_wait3A_95 = arith.constant 64 : i32
    %dma_wait3A_96 = tpu.memref_slice %arg5[%dma_wait3A_95] : memref<1024xi32, #tpu.memory_space<vmem>> -> memref<32xi32, #tpu.memory_space<vmem>>
    %dma_wait3A_97 = arith.constant 0 : i32
    %dma_wait3A_98 = arith.constant 0 : i32
    %dma_wait3A_99 = tpu.memref_slice %arg2[%dma_wait3A_97, %dma_wait3A_98] : memref<50000x256xf32, #tpu.memory_space<hbm>> -> memref<50000x256xf32, #tpu.memory_space<hbm>>
    tpu.wait_indirect_dma semaphore(%arg22 : memref<!tpu.dma_semaphore, #tpu.memory_space<semaphore_mem>>) src(%dma_wait3A_99 : memref<50000x256xf32, #tpu.memory_space<hbm>>) dst(%arg8 : memref<32x256xf32, #tpu.memory_space<vmem>>)
    %add3A_100 = arith.constant 64 : i32
    %add3A_101 = arith.addi %mul3A_2, %add3A_100 : i32
    %dma_start3A_102 = arith.constant 0 : i32
    %dma_start3A_103 = tpu.memref_slice %arg4[%add3A_101, %dma_start3A_102] : memref<32768x256xf32, #tpu.memory_space<hbm>> -> memref<32x256xf32, #tpu.memory_space<hbm>>
    %dma_start3A_104 = arith.constant 0 : i32
    %dma_start3A_105 = tpu.memref_slice %arg4[%add3A_101, %dma_start3A_104] : memref<32768x256xf32, #tpu.memory_space<hbm>> -> memref<32x256xf32, #tpu.memory_space<hbm>>
    tpu.enqueue_dma source(%arg8 : memref<32x256xf32, #tpu.memory_space<vmem>>) target(%dma_start3A_105 : memref<32x256xf32, #tpu.memory_space<hbm>>) target_semaphore(%arg36 : memref<!tpu.dma_semaphore, #tpu.memory_space<semaphore_mem>>)
    %dma_wait3A_106 = arith.constant 0 : i32
    %dma_wait3A_107 = tpu.memref_slice %arg4[%add3A_69, %dma_wait3A_106] : memref<32768x256xf32, #tpu.memory_space<hbm>> -> memref<32x256xf32, #tpu.memory_space<hbm>>
    %dma_wait3A_108 = arith.constant 0 : i32
    %dma_wait3A_109 = tpu.memref_slice %arg4[%add3A_69, %dma_wait3A_108] : memref<32768x256xf32, #tpu.memory_space<hbm>> -> memref<32x256xf32, #tpu.memory_space<hbm>>
    tpu.wait_dma2 semaphore(%arg34 : memref<!tpu.dma_semaphore, #tpu.memory_space<semaphore_mem>>) src(%arg6 : memref<32x256xf32, #tpu.memory_space<vmem>>) dst(%dma_wait3A_109 : memref<32x256xf32, #tpu.memory_space<hbm>>)
    %dma_start3A_110 = arith.constant 448 : i32
    %dma_start3A_111 = tpu.memref_slice %arg5[%dma_start3A_110] : memref<1024xi32, #tpu.memory_space<vmem>> -> memref<32xi32, #tpu.memory_space<vmem>>
    %dma_start3A_112 = arith.constant 0 : i32
    %dma_start3A_113 = arith.constant 0 : i32
    %dma_start3A_114 = tpu.memref_slice %arg2[%dma_start3A_112, %dma_start3A_113] : memref<50000x256xf32, #tpu.memory_space<hbm>> -> memref<50000x256xf32, #tpu.memory_space<hbm>>
    tpu.enqueue_indirect_dma source(%dma_start3A_114 : memref<50000x256xf32, #tpu.memory_space<hbm>>) target(%arg6 : memref<32x256xf32, #tpu.memory_space<vmem>>) offsets(%dma_start3A_111 : memref<32xi32, #tpu.memory_space<vmem>>) semaphore(%arg20 : memref<!tpu.dma_semaphore, #tpu.memory_space<semaphore_mem>>)
    %dma_wait3A_115 = arith.constant 96 : i32
    %dma_wait3A_116 = tpu.memref_slice %arg5[%dma_wait3A_115] : memref<1024xi32, #tpu.memory_space<vmem>> -> memref<32xi32, #tpu.memory_space<vmem>>
    %dma_wait3A_117 = arith.constant 0 : i32
    %dma_wait3A_118 = arith.constant 0 : i32
    %dma_wait3A_119 = tpu.memref_slice %arg2[%dma_wait3A_117, %dma_wait3A_118] : memref<50000x256xf32, #tpu.memory_space<hbm>> -> memref<50000x256xf32, #tpu.memory_space<hbm>>
    tpu.wait_indirect_dma semaphore(%arg23 : memref<!tpu.dma_semaphore, #tpu.memory_space<semaphore_mem>>) src(%dma_wait3A_119 : memref<50000x256xf32, #tpu.memory_space<hbm>>) dst(%arg9 : memref<32x256xf32, #tpu.memory_space<vmem>>)
    %add3A_120 = arith.constant 96 : i32
    %add3A_121 = arith.addi %mul3A_2, %add3A_120 : i32
    %dma_start3A_122 = arith.constant 0 : i32
    %dma_start3A_123 = tpu.memref_slice %arg4[%add3A_121, %dma_start3A_122] : memref<32768x256xf32, #tpu.memory_space<hbm>> -> memref<32x256xf32, #tpu.memory_space<hbm>>
    %dma_start3A_124 = arith.constant 0 : i32
    %dma_start3A_125 = tpu.memref_slice %arg4[%add3A_121, %dma_start3A_124] : memref<32768x256xf32, #tpu.memory_space<hbm>> -> memref<32x256xf32, #tpu.memory_space<hbm>>
    tpu.enqueue_dma source(%arg9 : memref<32x256xf32, #tpu.memory_space<vmem>>) target(%dma_start3A_125 : memref<32x256xf32, #tpu.memory_space<hbm>>) target_semaphore(%arg37 : memref<!tpu.dma_semaphore, #tpu.memory_space<semaphore_mem>>)
    %dma_wait3A_126 = arith.constant 0 : i32
    %dma_wait3A_127 = tpu.memref_slice %arg4[%add3A_85, %dma_wait3A_126] : memref<32768x256xf32, #tpu.memory_space<hbm>> -> memref<32x256xf32, #tpu.memory_space<hbm>>
    %dma_wait3A_128 = arith.constant 0 : i32
    %dma_wait3A_129 = tpu.memref_slice %arg4[%add3A_85, %dma_wait3A_128] : memref<32768x256xf32, #tpu.memory_space<hbm>> -> memref<32x256xf32, #tpu.memory_space<hbm>>
    tpu.wait_dma2 semaphore(%arg35 : memref<!tpu.dma_semaphore, #tpu.memory_space<semaphore_mem>>) src(%arg7 : memref<32x256xf32, #tpu.memory_space<vmem>>) dst(%dma_wait3A_129 : memref<32x256xf32, #tpu.memory_space<hbm>>)
    %dma_start3A_130 = arith.constant 480 : i32
    %dma_start3A_131 = tpu.memref_slice %arg5[%dma_start3A_130] : memref<1024xi32, #tpu.memory_space<vmem>> -> memref<32xi32, #tpu.memory_space<vmem>>
    %dma_start3A_132 = arith.constant 0 : i32
    %dma_start3A_133 = arith.constant 0 : i32
    %dma_start3A_134 = tpu.memref_slice %arg2[%dma_start3A_132, %dma_start3A_133] : memref<50000x256xf32, #tpu.memory_space<hbm>> -> memref<50000x256xf32, #tpu.memory_space<hbm>>
    tpu.enqueue_indirect_dma source(%dma_start3A_134 : memref<50000x256xf32, #tpu.memory_space<hbm>>) target(%arg7 : memref<32x256xf32, #tpu.memory_space<vmem>>) offsets(%dma_start3A_131 : memref<32xi32, #tpu.memory_space<vmem>>) semaphore(%arg21 : memref<!tpu.dma_semaphore, #tpu.memory_space<semaphore_mem>>)
    %dma_wait3A_135 = arith.constant 128 : i32
    %dma_wait3A_136 = tpu.memref_slice %arg5[%dma_wait3A_135] : memref<1024xi32, #tpu.memory_space<vmem>> -> memref<32xi32, #tpu.memory_space<vmem>>
    %dma_wait3A_137 = arith.constant 0 : i32
    %dma_wait3A_138 = arith.constant 0 : i32
    %dma_wait3A_139 = tpu.memref_slice %arg2[%dma_wait3A_137, %dma_wait3A_138] : memref<50000x256xf32, #tpu.memory_space<hbm>> -> memref<50000x256xf32, #tpu.memory_space<hbm>>
    tpu.wait_indirect_dma semaphore(%arg24 : memref<!tpu.dma_semaphore, #tpu.memory_space<semaphore_mem>>) src(%dma_wait3A_139 : memref<50000x256xf32, #tpu.memory_space<hbm>>) dst(%arg10 : memref<32x256xf32, #tpu.memory_space<vmem>>)
    %add3A_140 = arith.constant 128 : i32
    %add3A_141 = arith.addi %mul3A_2, %add3A_140 : i32
    %dma_start3A_142 = arith.constant 0 : i32
    %dma_start3A_143 = tpu.memref_slice %arg4[%add3A_141, %dma_start3A_142] : memref<32768x256xf32, #tpu.memory_space<hbm>> -> memref<32x256xf32, #tpu.memory_space<hbm>>
    %dma_start3A_144 = arith.constant 0 : i32
    %dma_start3A_145 = tpu.memref_slice %arg4[%add3A_141, %dma_start3A_144] : memref<32768x256xf32, #tpu.memory_space<hbm>> -> memref<32x256xf32, #tpu.memory_space<hbm>>
    tpu.enqueue_dma source(%arg10 : memref<32x256xf32, #tpu.memory_space<vmem>>) target(%dma_start3A_145 : memref<32x256xf32, #tpu.memory_space<hbm>>) target_semaphore(%arg38 : memref<!tpu.dma_semaphore, #tpu.memory_space<semaphore_mem>>)
    %dma_wait3A_146 = arith.constant 0 : i32
    %dma_wait3A_147 = tpu.memref_slice %arg4[%add3A_101, %dma_wait3A_146] : memref<32768x256xf32, #tpu.memory_space<hbm>> -> memref<32x256xf32, #tpu.memory_space<hbm>>
    %dma_wait3A_148 = arith.constant 0 : i32
    %dma_wait3A_149 = tpu.memref_slice %arg4[%add3A_101, %dma_wait3A_148] : memref<32768x256xf32, #tpu.memory_space<hbm>> -> memref<32x256xf32, #tpu.memory_space<hbm>>
    tpu.wait_dma2 semaphore(%arg36 : memref<!tpu.dma_semaphore, #tpu.memory_space<semaphore_mem>>) src(%arg8 : memref<32x256xf32, #tpu.memory_space<vmem>>) dst(%dma_wait3A_149 : memref<32x256xf32, #tpu.memory_space<hbm>>)
    %dma_start3A_150 = arith.constant 512 : i32
    %dma_start3A_151 = tpu.memref_slice %arg5[%dma_start3A_150] : memref<1024xi32, #tpu.memory_space<vmem>> -> memref<32xi32, #tpu.memory_space<vmem>>
    %dma_start3A_152 = arith.constant 0 : i32
    %dma_start3A_153 = arith.constant 0 : i32
    %dma_start3A_154 = tpu.memref_slice %arg2[%dma_start3A_152, %dma_start3A_153] : memref<50000x256xf32, #tpu.memory_space<hbm>> -> memref<50000x256xf32, #tpu.memory_space<hbm>>
    tpu.enqueue_indirect_dma source(%dma_start3A_154 : memref<50000x256xf32, #tpu.memory_space<hbm>>) target(%arg8 : memref<32x256xf32, #tpu.memory_space<vmem>>) offsets(%dma_start3A_151 : memref<32xi32, #tpu.memory_space<vmem>>) semaphore(%arg22 : memref<!tpu.dma_semaphore, #tpu.memory_space<semaphore_mem>>)
    %dma_wait3A_155 = arith.constant 160 : i32
    %dma_wait3A_156 = tpu.memref_slice %arg5[%dma_wait3A_155] : memref<1024xi32, #tpu.memory_space<vmem>> -> memref<32xi32, #tpu.memory_space<vmem>>
    %dma_wait3A_157 = arith.constant 0 : i32
    %dma_wait3A_158 = arith.constant 0 : i32
    %dma_wait3A_159 = tpu.memref_slice %arg2[%dma_wait3A_157, %dma_wait3A_158] : memref<50000x256xf32, #tpu.memory_space<hbm>> -> memref<50000x256xf32, #tpu.memory_space<hbm>>
    tpu.wait_indirect_dma semaphore(%arg25 : memref<!tpu.dma_semaphore, #tpu.memory_space<semaphore_mem>>) src(%dma_wait3A_159 : memref<50000x256xf32, #tpu.memory_space<hbm>>) dst(%arg11 : memref<32x256xf32, #tpu.memory_space<vmem>>)
    %add3A_160 = arith.constant 160 : i32
    %add3A_161 = arith.addi %mul3A_2, %add3A_160 : i32
    %dma_start3A_162 = arith.constant 0 : i32
    %dma_start3A_163 = tpu.memref_slice %arg4[%add3A_161, %dma_start3A_162] : memref<32768x256xf32, #tpu.memory_space<hbm>> -> memref<32x256xf32, #tpu.memory_space<hbm>>
    %dma_start3A_164 = arith.constant 0 : i32
    %dma_start3A_165 = tpu.memref_slice %arg4[%add3A_161, %dma_start3A_164] : memref<32768x256xf32, #tpu.memory_space<hbm>> -> memref<32x256xf32, #tpu.memory_space<hbm>>
    tpu.enqueue_dma source(%arg11 : memref<32x256xf32, #tpu.memory_space<vmem>>) target(%dma_start3A_165 : memref<32x256xf32, #tpu.memory_space<hbm>>) target_semaphore(%arg39 : memref<!tpu.dma_semaphore, #tpu.memory_space<semaphore_mem>>)
    %dma_wait3A_166 = arith.constant 0 : i32
    %dma_wait3A_167 = tpu.memref_slice %arg4[%add3A_121, %dma_wait3A_166] : memref<32768x256xf32, #tpu.memory_space<hbm>> -> memref<32x256xf32, #tpu.memory_space<hbm>>
    %dma_wait3A_168 = arith.constant 0 : i32
    %dma_wait3A_169 = tpu.memref_slice %arg4[%add3A_121, %dma_wait3A_168] : memref<32768x256xf32, #tpu.memory_space<hbm>> -> memref<32x256xf32, #tpu.memory_space<hbm>>
    tpu.wait_dma2 semaphore(%arg37 : memref<!tpu.dma_semaphore, #tpu.memory_space<semaphore_mem>>) src(%arg9 : memref<32x256xf32, #tpu.memory_space<vmem>>) dst(%dma_wait3A_169 : memref<32x256xf32, #tpu.memory_space<hbm>>)
    %dma_start3A_170 = arith.constant 544 : i32
    %dma_start3A_171 = tpu.memref_slice %arg5[%dma_start3A_170] : memref<1024xi32, #tpu.memory_space<vmem>> -> memref<32xi32, #tpu.memory_space<vmem>>
    %dma_start3A_172 = arith.constant 0 : i32
    %dma_start3A_173 = arith.constant 0 : i32
    %dma_start3A_174 = tpu.memref_slice %arg2[%dma_start3A_172, %dma_start3A_173] : memref<50000x256xf32, #tpu.memory_space<hbm>> -> memref<50000x256xf32, #tpu.memory_space<hbm>>
    tpu.enqueue_indirect_dma source(%dma_start3A_174 : memref<50000x256xf32, #tpu.memory_space<hbm>>) target(%arg9 : memref<32x256xf32, #tpu.memory_space<vmem>>) offsets(%dma_start3A_171 : memref<32xi32, #tpu.memory_space<vmem>>) semaphore(%arg23 : memref<!tpu.dma_semaphore, #tpu.memory_space<semaphore_mem>>)
    %dma_wait3A_175 = arith.constant 192 : i32
    %dma_wait3A_176 = tpu.memref_slice %arg5[%dma_wait3A_175] : memref<1024xi32, #tpu.memory_space<vmem>> -> memref<32xi32, #tpu.memory_space<vmem>>
    %dma_wait3A_177 = arith.constant 0 : i32
    %dma_wait3A_178 = arith.constant 0 : i32
    %dma_wait3A_179 = tpu.memref_slice %arg2[%dma_wait3A_177, %dma_wait3A_178] : memref<50000x256xf32, #tpu.memory_space<hbm>> -> memref<50000x256xf32, #tpu.memory_space<hbm>>
    tpu.wait_indirect_dma semaphore(%arg26 : memref<!tpu.dma_semaphore, #tpu.memory_space<semaphore_mem>>) src(%dma_wait3A_179 : memref<50000x256xf32, #tpu.memory_space<hbm>>) dst(%arg12 : memref<32x256xf32, #tpu.memory_space<vmem>>)
    %add3A_180 = arith.constant 192 : i32
    %add3A_181 = arith.addi %mul3A_2, %add3A_180 : i32
    %dma_start3A_182 = arith.constant 0 : i32
    %dma_start3A_183 = tpu.memref_slice %arg4[%add3A_181, %dma_start3A_182] : memref<32768x256xf32, #tpu.memory_space<hbm>> -> memref<32x256xf32, #tpu.memory_space<hbm>>
    %dma_start3A_184 = arith.constant 0 : i32
    %dma_start3A_185 = tpu.memref_slice %arg4[%add3A_181, %dma_start3A_184] : memref<32768x256xf32, #tpu.memory_space<hbm>> -> memref<32x256xf32, #tpu.memory_space<hbm>>
    tpu.enqueue_dma source(%arg12 : memref<32x256xf32, #tpu.memory_space<vmem>>) target(%dma_start3A_185 : memref<32x256xf32, #tpu.memory_space<hbm>>) target_semaphore(%arg40 : memref<!tpu.dma_semaphore, #tpu.memory_space<semaphore_mem>>)
    %dma_wait3A_186 = arith.constant 0 : i32
    %dma_wait3A_187 = tpu.memref_slice %arg4[%add3A_141, %dma_wait3A_186] : memref<32768x256xf32, #tpu.memory_space<hbm>> -> memref<32x256xf32, #tpu.memory_space<hbm>>
    %dma_wait3A_188 = arith.constant 0 : i32
    %dma_wait3A_189 = tpu.memref_slice %arg4[%add3A_141, %dma_wait3A_188] : memref<32768x256xf32, #tpu.memory_space<hbm>> -> memref<32x256xf32, #tpu.memory_space<hbm>>
    tpu.wait_dma2 semaphore(%arg38 : memref<!tpu.dma_semaphore, #tpu.memory_space<semaphore_mem>>) src(%arg10 : memref<32x256xf32, #tpu.memory_space<vmem>>) dst(%dma_wait3A_189 : memref<32x256xf32, #tpu.memory_space<hbm>>)
    %dma_start3A_190 = arith.constant 576 : i32
    %dma_start3A_191 = tpu.memref_slice %arg5[%dma_start3A_190] : memref<1024xi32, #tpu.memory_space<vmem>> -> memref<32xi32, #tpu.memory_space<vmem>>
    %dma_start3A_192 = arith.constant 0 : i32
    %dma_start3A_193 = arith.constant 0 : i32
    %dma_start3A_194 = tpu.memref_slice %arg2[%dma_start3A_192, %dma_start3A_193] : memref<50000x256xf32, #tpu.memory_space<hbm>> -> memref<50000x256xf32, #tpu.memory_space<hbm>>
    tpu.enqueue_indirect_dma source(%dma_start3A_194 : memref<50000x256xf32, #tpu.memory_space<hbm>>) target(%arg10 : memref<32x256xf32, #tpu.memory_space<vmem>>) offsets(%dma_start3A_191 : memref<32xi32, #tpu.memory_space<vmem>>) semaphore(%arg24 : memref<!tpu.dma_semaphore, #tpu.memory_space<semaphore_mem>>)
    %dma_wait3A_195 = arith.constant 224 : i32
    %dma_wait3A_196 = tpu.memref_slice %arg5[%dma_wait3A_195] : memref<1024xi32, #tpu.memory_space<vmem>> -> memref<32xi32, #tpu.memory_space<vmem>>
    %dma_wait3A_197 = arith.constant 0 : i32
    %dma_wait3A_198 = arith.constant 0 : i32
    %dma_wait3A_199 = tpu.memref_slice %arg2[%dma_wait3A_197, %dma_wait3A_198] : memref<50000x256xf32, #tpu.memory_space<hbm>> -> memref<50000x256xf32, #tpu.memory_space<hbm>>
    tpu.wait_indirect_dma semaphore(%arg27 : memref<!tpu.dma_semaphore, #tpu.memory_space<semaphore_mem>>) src(%dma_wait3A_199 : memref<50000x256xf32, #tpu.memory_space<hbm>>) dst(%arg13 : memref<32x256xf32, #tpu.memory_space<vmem>>)
    %add3A_200 = arith.constant 224 : i32
    %add3A_201 = arith.addi %mul3A_2, %add3A_200 : i32
    %dma_start3A_202 = arith.constant 0 : i32
    %dma_start3A_203 = tpu.memref_slice %arg4[%add3A_201, %dma_start3A_202] : memref<32768x256xf32, #tpu.memory_space<hbm>> -> memref<32x256xf32, #tpu.memory_space<hbm>>
    %dma_start3A_204 = arith.constant 0 : i32
    %dma_start3A_205 = tpu.memref_slice %arg4[%add3A_201, %dma_start3A_204] : memref<32768x256xf32, #tpu.memory_space<hbm>> -> memref<32x256xf32, #tpu.memory_space<hbm>>
    tpu.enqueue_dma source(%arg13 : memref<32x256xf32, #tpu.memory_space<vmem>>) target(%dma_start3A_205 : memref<32x256xf32, #tpu.memory_space<hbm>>) target_semaphore(%arg41 : memref<!tpu.dma_semaphore, #tpu.memory_space<semaphore_mem>>)
    %dma_wait3A_206 = arith.constant 0 : i32
    %dma_wait3A_207 = tpu.memref_slice %arg4[%add3A_161, %dma_wait3A_206] : memref<32768x256xf32, #tpu.memory_space<hbm>> -> memref<32x256xf32, #tpu.memory_space<hbm>>
    %dma_wait3A_208 = arith.constant 0 : i32
    %dma_wait3A_209 = tpu.memref_slice %arg4[%add3A_161, %dma_wait3A_208] : memref<32768x256xf32, #tpu.memory_space<hbm>> -> memref<32x256xf32, #tpu.memory_space<hbm>>
    tpu.wait_dma2 semaphore(%arg39 : memref<!tpu.dma_semaphore, #tpu.memory_space<semaphore_mem>>) src(%arg11 : memref<32x256xf32, #tpu.memory_space<vmem>>) dst(%dma_wait3A_209 : memref<32x256xf32, #tpu.memory_space<hbm>>)
    %dma_start3A_210 = arith.constant 608 : i32
    %dma_start3A_211 = tpu.memref_slice %arg5[%dma_start3A_210] : memref<1024xi32, #tpu.memory_space<vmem>> -> memref<32xi32, #tpu.memory_space<vmem>>
    %dma_start3A_212 = arith.constant 0 : i32
    %dma_start3A_213 = arith.constant 0 : i32
    %dma_start3A_214 = tpu.memref_slice %arg2[%dma_start3A_212, %dma_start3A_213] : memref<50000x256xf32, #tpu.memory_space<hbm>> -> memref<50000x256xf32, #tpu.memory_space<hbm>>
    tpu.enqueue_indirect_dma source(%dma_start3A_214 : memref<50000x256xf32, #tpu.memory_space<hbm>>) target(%arg11 : memref<32x256xf32, #tpu.memory_space<vmem>>) offsets(%dma_start3A_211 : memref<32xi32, #tpu.memory_space<vmem>>) semaphore(%arg25 : memref<!tpu.dma_semaphore, #tpu.memory_space<semaphore_mem>>)
    %dma_wait3A_215 = arith.constant 256 : i32
    %dma_wait3A_216 = tpu.memref_slice %arg5[%dma_wait3A_215] : memref<1024xi32, #tpu.memory_space<vmem>> -> memref<32xi32, #tpu.memory_space<vmem>>
    %dma_wait3A_217 = arith.constant 0 : i32
    %dma_wait3A_218 = arith.constant 0 : i32
    %dma_wait3A_219 = tpu.memref_slice %arg2[%dma_wait3A_217, %dma_wait3A_218] : memref<50000x256xf32, #tpu.memory_space<hbm>> -> memref<50000x256xf32, #tpu.memory_space<hbm>>
    tpu.wait_indirect_dma semaphore(%arg28 : memref<!tpu.dma_semaphore, #tpu.memory_space<semaphore_mem>>) src(%dma_wait3A_219 : memref<50000x256xf32, #tpu.memory_space<hbm>>) dst(%arg14 : memref<32x256xf32, #tpu.memory_space<vmem>>)
    %add3A_220 = arith.constant 256 : i32
    %add3A_221 = arith.addi %mul3A_2, %add3A_220 : i32
    %dma_start3A_222 = arith.constant 0 : i32
    %dma_start3A_223 = tpu.memref_slice %arg4[%add3A_221, %dma_start3A_222] : memref<32768x256xf32, #tpu.memory_space<hbm>> -> memref<32x256xf32, #tpu.memory_space<hbm>>
    %dma_start3A_224 = arith.constant 0 : i32
    %dma_start3A_225 = tpu.memref_slice %arg4[%add3A_221, %dma_start3A_224] : memref<32768x256xf32, #tpu.memory_space<hbm>> -> memref<32x256xf32, #tpu.memory_space<hbm>>
    tpu.enqueue_dma source(%arg14 : memref<32x256xf32, #tpu.memory_space<vmem>>) target(%dma_start3A_225 : memref<32x256xf32, #tpu.memory_space<hbm>>) target_semaphore(%arg42 : memref<!tpu.dma_semaphore, #tpu.memory_space<semaphore_mem>>)
    %dma_wait3A_226 = arith.constant 0 : i32
    %dma_wait3A_227 = tpu.memref_slice %arg4[%add3A_181, %dma_wait3A_226] : memref<32768x256xf32, #tpu.memory_space<hbm>> -> memref<32x256xf32, #tpu.memory_space<hbm>>
    %dma_wait3A_228 = arith.constant 0 : i32
    %dma_wait3A_229 = tpu.memref_slice %arg4[%add3A_181, %dma_wait3A_228] : memref<32768x256xf32, #tpu.memory_space<hbm>> -> memref<32x256xf32, #tpu.memory_space<hbm>>
    tpu.wait_dma2 semaphore(%arg40 : memref<!tpu.dma_semaphore, #tpu.memory_space<semaphore_mem>>) src(%arg12 : memref<32x256xf32, #tpu.memory_space<vmem>>) dst(%dma_wait3A_229 : memref<32x256xf32, #tpu.memory_space<hbm>>)
    %dma_start3A_230 = arith.constant 640 : i32
    %dma_start3A_231 = tpu.memref_slice %arg5[%dma_start3A_230] : memref<1024xi32, #tpu.memory_space<vmem>> -> memref<32xi32, #tpu.memory_space<vmem>>
    %dma_start3A_232 = arith.constant 0 : i32
    %dma_start3A_233 = arith.constant 0 : i32
    %dma_start3A_234 = tpu.memref_slice %arg2[%dma_start3A_232, %dma_start3A_233] : memref<50000x256xf32, #tpu.memory_space<hbm>> -> memref<50000x256xf32, #tpu.memory_space<hbm>>
    tpu.enqueue_indirect_dma source(%dma_start3A_234 : memref<50000x256xf32, #tpu.memory_space<hbm>>) target(%arg12 : memref<32x256xf32, #tpu.memory_space<vmem>>) offsets(%dma_start3A_231 : memref<32xi32, #tpu.memory_space<vmem>>) semaphore(%arg26 : memref<!tpu.dma_semaphore, #tpu.memory_space<semaphore_mem>>)
    %dma_wait3A_235 = arith.constant 288 : i32
    %dma_wait3A_236 = tpu.memref_slice %arg5[%dma_wait3A_235] : memref<1024xi32, #tpu.memory_space<vmem>> -> memref<32xi32, #tpu.memory_space<vmem>>
    %dma_wait3A_237 = arith.constant 0 : i32
    %dma_wait3A_238 = arith.constant 0 : i32
    %dma_wait3A_239 = tpu.memref_slice %arg2[%dma_wait3A_237, %dma_wait3A_238] : memref<50000x256xf32, #tpu.memory_space<hbm>> -> memref<50000x256xf32, #tpu.memory_space<hbm>>
    tpu.wait_indirect_dma semaphore(%arg29 : memref<!tpu.dma_semaphore, #tpu.memory_space<semaphore_mem>>) src(%dma_wait3A_239 : memref<50000x256xf32, #tpu.memory_space<hbm>>) dst(%arg15 : memref<32x256xf32, #tpu.memory_space<vmem>>)
    %add3A_240 = arith.constant 288 : i32
    %add3A_241 = arith.addi %mul3A_2, %add3A_240 : i32
    %dma_start3A_242 = arith.constant 0 : i32
    %dma_start3A_243 = tpu.memref_slice %arg4[%add3A_241, %dma_start3A_242] : memref<32768x256xf32, #tpu.memory_space<hbm>> -> memref<32x256xf32, #tpu.memory_space<hbm>>
    %dma_start3A_244 = arith.constant 0 : i32
    %dma_start3A_245 = tpu.memref_slice %arg4[%add3A_241, %dma_start3A_244] : memref<32768x256xf32, #tpu.memory_space<hbm>> -> memref<32x256xf32, #tpu.memory_space<hbm>>
    tpu.enqueue_dma source(%arg15 : memref<32x256xf32, #tpu.memory_space<vmem>>) target(%dma_start3A_245 : memref<32x256xf32, #tpu.memory_space<hbm>>) target_semaphore(%arg43 : memref<!tpu.dma_semaphore, #tpu.memory_space<semaphore_mem>>)
    %dma_wait3A_246 = arith.constant 0 : i32
    %dma_wait3A_247 = tpu.memref_slice %arg4[%add3A_201, %dma_wait3A_246] : memref<32768x256xf32, #tpu.memory_space<hbm>> -> memref<32x256xf32, #tpu.memory_space<hbm>>
    %dma_wait3A_248 = arith.constant 0 : i32
    %dma_wait3A_249 = tpu.memref_slice %arg4[%add3A_201, %dma_wait3A_248] : memref<32768x256xf32, #tpu.memory_space<hbm>> -> memref<32x256xf32, #tpu.memory_space<hbm>>
    tpu.wait_dma2 semaphore(%arg41 : memref<!tpu.dma_semaphore, #tpu.memory_space<semaphore_mem>>) src(%arg13 : memref<32x256xf32, #tpu.memory_space<vmem>>) dst(%dma_wait3A_249 : memref<32x256xf32, #tpu.memory_space<hbm>>)
    %dma_start3A_250 = arith.constant 672 : i32
    %dma_start3A_251 = tpu.memref_slice %arg5[%dma_start3A_250] : memref<1024xi32, #tpu.memory_space<vmem>> -> memref<32xi32, #tpu.memory_space<vmem>>
    %dma_start3A_252 = arith.constant 0 : i32
    %dma_start3A_253 = arith.constant 0 : i32
    %dma_start3A_254 = tpu.memref_slice %arg2[%dma_start3A_252, %dma_start3A_253] : memref<50000x256xf32, #tpu.memory_space<hbm>> -> memref<50000x256xf32, #tpu.memory_space<hbm>>
    tpu.enqueue_indirect_dma source(%dma_start3A_254 : memref<50000x256xf32, #tpu.memory_space<hbm>>) target(%arg13 : memref<32x256xf32, #tpu.memory_space<vmem>>) offsets(%dma_start3A_251 : memref<32xi32, #tpu.memory_space<vmem>>) semaphore(%arg27 : memref<!tpu.dma_semaphore, #tpu.memory_space<semaphore_mem>>)
    %dma_wait3A_255 = arith.constant 320 : i32
    %dma_wait3A_256 = tpu.memref_slice %arg5[%dma_wait3A_255] : memref<1024xi32, #tpu.memory_space<vmem>> -> memref<32xi32, #tpu.memory_space<vmem>>
    %dma_wait3A_257 = arith.constant 0 : i32
    %dma_wait3A_258 = arith.constant 0 : i32
    %dma_wait3A_259 = tpu.memref_slice %arg2[%dma_wait3A_257, %dma_wait3A_258] : memref<50000x256xf32, #tpu.memory_space<hbm>> -> memref<50000x256xf32, #tpu.memory_space<hbm>>
    tpu.wait_indirect_dma semaphore(%arg30 : memref<!tpu.dma_semaphore, #tpu.memory_space<semaphore_mem>>) src(%dma_wait3A_259 : memref<50000x256xf32, #tpu.memory_space<hbm>>) dst(%arg16 : memref<32x256xf32, #tpu.memory_space<vmem>>)
    %add3A_260 = arith.constant 320 : i32
    %add3A_261 = arith.addi %mul3A_2, %add3A_260 : i32
    %dma_start3A_262 = arith.constant 0 : i32
    %dma_start3A_263 = tpu.memref_slice %arg4[%add3A_261, %dma_start3A_262] : memref<32768x256xf32, #tpu.memory_space<hbm>> -> memref<32x256xf32, #tpu.memory_space<hbm>>
    %dma_start3A_264 = arith.constant 0 : i32
    %dma_start3A_265 = tpu.memref_slice %arg4[%add3A_261, %dma_start3A_264] : memref<32768x256xf32, #tpu.memory_space<hbm>> -> memref<32x256xf32, #tpu.memory_space<hbm>>
    tpu.enqueue_dma source(%arg16 : memref<32x256xf32, #tpu.memory_space<vmem>>) target(%dma_start3A_265 : memref<32x256xf32, #tpu.memory_space<hbm>>) target_semaphore(%arg44 : memref<!tpu.dma_semaphore, #tpu.memory_space<semaphore_mem>>)
    %dma_wait3A_266 = arith.constant 0 : i32
    %dma_wait3A_267 = tpu.memref_slice %arg4[%add3A_221, %dma_wait3A_266] : memref<32768x256xf32, #tpu.memory_space<hbm>> -> memref<32x256xf32, #tpu.memory_space<hbm>>
    %dma_wait3A_268 = arith.constant 0 : i32
    %dma_wait3A_269 = tpu.memref_slice %arg4[%add3A_221, %dma_wait3A_268] : memref<32768x256xf32, #tpu.memory_space<hbm>> -> memref<32x256xf32, #tpu.memory_space<hbm>>
    tpu.wait_dma2 semaphore(%arg42 : memref<!tpu.dma_semaphore, #tpu.memory_space<semaphore_mem>>) src(%arg14 : memref<32x256xf32, #tpu.memory_space<vmem>>) dst(%dma_wait3A_269 : memref<32x256xf32, #tpu.memory_space<hbm>>)
    %dma_start3A_270 = arith.constant 704 : i32
    %dma_start3A_271 = tpu.memref_slice %arg5[%dma_start3A_270] : memref<1024xi32, #tpu.memory_space<vmem>> -> memref<32xi32, #tpu.memory_space<vmem>>
    %dma_start3A_272 = arith.constant 0 : i32
    %dma_start3A_273 = arith.constant 0 : i32
    %dma_start3A_274 = tpu.memref_slice %arg2[%dma_start3A_272, %dma_start3A_273] : memref<50000x256xf32, #tpu.memory_space<hbm>> -> memref<50000x256xf32, #tpu.memory_space<hbm>>
    tpu.enqueue_indirect_dma source(%dma_start3A_274 : memref<50000x256xf32, #tpu.memory_space<hbm>>) target(%arg14 : memref<32x256xf32, #tpu.memory_space<vmem>>) offsets(%dma_start3A_271 : memref<32xi32, #tpu.memory_space<vmem>>) semaphore(%arg28 : memref<!tpu.dma_semaphore, #tpu.memory_space<semaphore_mem>>)
    %dma_wait3A_275 = arith.constant 352 : i32
    %dma_wait3A_276 = tpu.memref_slice %arg5[%dma_wait3A_275] : memref<1024xi32, #tpu.memory_space<vmem>> -> memref<32xi32, #tpu.memory_space<vmem>>
    %dma_wait3A_277 = arith.constant 0 : i32
    %dma_wait3A_278 = arith.constant 0 : i32
    %dma_wait3A_279 = tpu.memref_slice %arg2[%dma_wait3A_277, %dma_wait3A_278] : memref<50000x256xf32, #tpu.memory_space<hbm>> -> memref<50000x256xf32, #tpu.memory_space<hbm>>
    tpu.wait_indirect_dma semaphore(%arg31 : memref<!tpu.dma_semaphore, #tpu.memory_space<semaphore_mem>>) src(%dma_wait3A_279 : memref<50000x256xf32, #tpu.memory_space<hbm>>) dst(%arg17 : memref<32x256xf32, #tpu.memory_space<vmem>>)
    %add3A_280 = arith.constant 352 : i32
    %add3A_281 = arith.addi %mul3A_2, %add3A_280 : i32
    %dma_start3A_282 = arith.constant 0 : i32
    %dma_start3A_283 = tpu.memref_slice %arg4[%add3A_281, %dma_start3A_282] : memref<32768x256xf32, #tpu.memory_space<hbm>> -> memref<32x256xf32, #tpu.memory_space<hbm>>
    %dma_start3A_284 = arith.constant 0 : i32
    %dma_start3A_285 = tpu.memref_slice %arg4[%add3A_281, %dma_start3A_284] : memref<32768x256xf32, #tpu.memory_space<hbm>> -> memref<32x256xf32, #tpu.memory_space<hbm>>
    tpu.enqueue_dma source(%arg17 : memref<32x256xf32, #tpu.memory_space<vmem>>) target(%dma_start3A_285 : memref<32x256xf32, #tpu.memory_space<hbm>>) target_semaphore(%arg45 : memref<!tpu.dma_semaphore, #tpu.memory_space<semaphore_mem>>)
    %dma_wait3A_286 = arith.constant 0 : i32
    %dma_wait3A_287 = tpu.memref_slice %arg4[%add3A_241, %dma_wait3A_286] : memref<32768x256xf32, #tpu.memory_space<hbm>> -> memref<32x256xf32, #tpu.memory_space<hbm>>
    %dma_wait3A_288 = arith.constant 0 : i32
    %dma_wait3A_289 = tpu.memref_slice %arg4[%add3A_241, %dma_wait3A_288] : memref<32768x256xf32, #tpu.memory_space<hbm>> -> memref<32x256xf32, #tpu.memory_space<hbm>>
    tpu.wait_dma2 semaphore(%arg43 : memref<!tpu.dma_semaphore, #tpu.memory_space<semaphore_mem>>) src(%arg15 : memref<32x256xf32, #tpu.memory_space<vmem>>) dst(%dma_wait3A_289 : memref<32x256xf32, #tpu.memory_space<hbm>>)
    %dma_start3A_290 = arith.constant 736 : i32
    %dma_start3A_291 = tpu.memref_slice %arg5[%dma_start3A_290] : memref<1024xi32, #tpu.memory_space<vmem>> -> memref<32xi32, #tpu.memory_space<vmem>>
    %dma_start3A_292 = arith.constant 0 : i32
    %dma_start3A_293 = arith.constant 0 : i32
    %dma_start3A_294 = tpu.memref_slice %arg2[%dma_start3A_292, %dma_start3A_293] : memref<50000x256xf32, #tpu.memory_space<hbm>> -> memref<50000x256xf32, #tpu.memory_space<hbm>>
    tpu.enqueue_indirect_dma source(%dma_start3A_294 : memref<50000x256xf32, #tpu.memory_space<hbm>>) target(%arg15 : memref<32x256xf32, #tpu.memory_space<vmem>>) offsets(%dma_start3A_291 : memref<32xi32, #tpu.memory_space<vmem>>) semaphore(%arg29 : memref<!tpu.dma_semaphore, #tpu.memory_space<semaphore_mem>>)
    %dma_wait3A_295 = arith.constant 384 : i32
    %dma_wait3A_296 = tpu.memref_slice %arg5[%dma_wait3A_295] : memref<1024xi32, #tpu.memory_space<vmem>> -> memref<32xi32, #tpu.memory_space<vmem>>
    %dma_wait3A_297 = arith.constant 0 : i32
    %dma_wait3A_298 = arith.constant 0 : i32
    %dma_wait3A_299 = tpu.memref_slice %arg2[%dma_wait3A_297, %dma_wait3A_298] : memref<50000x256xf32, #tpu.memory_space<hbm>> -> memref<50000x256xf32, #tpu.memory_space<hbm>>
    tpu.wait_indirect_dma semaphore(%arg32 : memref<!tpu.dma_semaphore, #tpu.memory_space<semaphore_mem>>) src(%dma_wait3A_299 : memref<50000x256xf32, #tpu.memory_space<hbm>>) dst(%arg18 : memref<32x256xf32, #tpu.memory_space<vmem>>)
    %add3A_300 = arith.constant 384 : i32
    %add3A_301 = arith.addi %mul3A_2, %add3A_300 : i32
    %dma_start3A_302 = arith.constant 0 : i32
    %dma_start3A_303 = tpu.memref_slice %arg4[%add3A_301, %dma_start3A_302] : memref<32768x256xf32, #tpu.memory_space<hbm>> -> memref<32x256xf32, #tpu.memory_space<hbm>>
    %dma_start3A_304 = arith.constant 0 : i32
    %dma_start3A_305 = tpu.memref_slice %arg4[%add3A_301, %dma_start3A_304] : memref<32768x256xf32, #tpu.memory_space<hbm>> -> memref<32x256xf32, #tpu.memory_space<hbm>>
    tpu.enqueue_dma source(%arg18 : memref<32x256xf32, #tpu.memory_space<vmem>>) target(%dma_start3A_305 : memref<32x256xf32, #tpu.memory_space<hbm>>) target_semaphore(%arg46 : memref<!tpu.dma_semaphore, #tpu.memory_space<semaphore_mem>>)
    %dma_wait3A_306 = arith.constant 0 : i32
    %dma_wait3A_307 = tpu.memref_slice %arg4[%add3A_261, %dma_wait3A_306] : memref<32768x256xf32, #tpu.memory_space<hbm>> -> memref<32x256xf32, #tpu.memory_space<hbm>>
    %dma_wait3A_308 = arith.constant 0 : i32
    %dma_wait3A_309 = tpu.memref_slice %arg4[%add3A_261, %dma_wait3A_308] : memref<32768x256xf32, #tpu.memory_space<hbm>> -> memref<32x256xf32, #tpu.memory_space<hbm>>
    tpu.wait_dma2 semaphore(%arg44 : memref<!tpu.dma_semaphore, #tpu.memory_space<semaphore_mem>>) src(%arg16 : memref<32x256xf32, #tpu.memory_space<vmem>>) dst(%dma_wait3A_309 : memref<32x256xf32, #tpu.memory_space<hbm>>)
    %dma_start3A_310 = arith.constant 768 : i32
    %dma_start3A_311 = tpu.memref_slice %arg5[%dma_start3A_310] : memref<1024xi32, #tpu.memory_space<vmem>> -> memref<32xi32, #tpu.memory_space<vmem>>
    %dma_start3A_312 = arith.constant 0 : i32
    %dma_start3A_313 = arith.constant 0 : i32
    %dma_start3A_314 = tpu.memref_slice %arg2[%dma_start3A_312, %dma_start3A_313] : memref<50000x256xf32, #tpu.memory_space<hbm>> -> memref<50000x256xf32, #tpu.memory_space<hbm>>
    tpu.enqueue_indirect_dma source(%dma_start3A_314 : memref<50000x256xf32, #tpu.memory_space<hbm>>) target(%arg16 : memref<32x256xf32, #tpu.memory_space<vmem>>) offsets(%dma_start3A_311 : memref<32xi32, #tpu.memory_space<vmem>>) semaphore(%arg30 : memref<!tpu.dma_semaphore, #tpu.memory_space<semaphore_mem>>)
    %dma_wait3A_315 = arith.constant 416 : i32
    %dma_wait3A_316 = tpu.memref_slice %arg5[%dma_wait3A_315] : memref<1024xi32, #tpu.memory_space<vmem>> -> memref<32xi32, #tpu.memory_space<vmem>>
    %dma_wait3A_317 = arith.constant 0 : i32
    %dma_wait3A_318 = arith.constant 0 : i32
    %dma_wait3A_319 = tpu.memref_slice %arg2[%dma_wait3A_317, %dma_wait3A_318] : memref<50000x256xf32, #tpu.memory_space<hbm>> -> memref<50000x256xf32, #tpu.memory_space<hbm>>
    tpu.wait_indirect_dma semaphore(%arg33 : memref<!tpu.dma_semaphore, #tpu.memory_space<semaphore_mem>>) src(%dma_wait3A_319 : memref<50000x256xf32, #tpu.memory_space<hbm>>) dst(%arg19 : memref<32x256xf32, #tpu.memory_space<vmem>>)
    %add3A_320 = arith.constant 416 : i32
    %add3A_321 = arith.addi %mul3A_2, %add3A_320 : i32
    %dma_start3A_322 = arith.constant 0 : i32
    %dma_start3A_323 = tpu.memref_slice %arg4[%add3A_321, %dma_start3A_322] : memref<32768x256xf32, #tpu.memory_space<hbm>> -> memref<32x256xf32, #tpu.memory_space<hbm>>
    %dma_start3A_324 = arith.constant 0 : i32
    %dma_start3A_325 = tpu.memref_slice %arg4[%add3A_321, %dma_start3A_324] : memref<32768x256xf32, #tpu.memory_space<hbm>> -> memref<32x256xf32, #tpu.memory_space<hbm>>
    tpu.enqueue_dma source(%arg19 : memref<32x256xf32, #tpu.memory_space<vmem>>) target(%dma_start3A_325 : memref<32x256xf32, #tpu.memory_space<hbm>>) target_semaphore(%arg47 : memref<!tpu.dma_semaphore, #tpu.memory_space<semaphore_mem>>)
    %dma_wait3A_326 = arith.constant 0 : i32
    %dma_wait3A_327 = tpu.memref_slice %arg4[%add3A_281, %dma_wait3A_326] : memref<32768x256xf32, #tpu.memory_space<hbm>> -> memref<32x256xf32, #tpu.memory_space<hbm>>
    %dma_wait3A_328 = arith.constant 0 : i32
    %dma_wait3A_329 = tpu.memref_slice %arg4[%add3A_281, %dma_wait3A_328] : memref<32768x256xf32, #tpu.memory_space<hbm>> -> memref<32x256xf32, #tpu.memory_space<hbm>>
    tpu.wait_dma2 semaphore(%arg45 : memref<!tpu.dma_semaphore, #tpu.memory_space<semaphore_mem>>) src(%arg17 : memref<32x256xf32, #tpu.memory_space<vmem>>) dst(%dma_wait3A_329 : memref<32x256xf32, #tpu.memory_space<hbm>>)
    %dma_start3A_330 = arith.constant 800 : i32
    %dma_start3A_331 = tpu.memref_slice %arg5[%dma_start3A_330] : memref<1024xi32, #tpu.memory_space<vmem>> -> memref<32xi32, #tpu.memory_space<vmem>>
    %dma_start3A_332 = arith.constant 0 : i32
    %dma_start3A_333 = arith.constant 0 : i32
    %dma_start3A_334 = tpu.memref_slice %arg2[%dma_start3A_332, %dma_start3A_333] : memref<50000x256xf32, #tpu.memory_space<hbm>> -> memref<50000x256xf32, #tpu.memory_space<hbm>>
    tpu.enqueue_indirect_dma source(%dma_start3A_334 : memref<50000x256xf32, #tpu.memory_space<hbm>>) target(%arg17 : memref<32x256xf32, #tpu.memory_space<vmem>>) offsets(%dma_start3A_331 : memref<32xi32, #tpu.memory_space<vmem>>) semaphore(%arg31 : memref<!tpu.dma_semaphore, #tpu.memory_space<semaphore_mem>>)
    %dma_wait3A_335 = arith.constant 448 : i32
    %dma_wait3A_336 = tpu.memref_slice %arg5[%dma_wait3A_335] : memref<1024xi32, #tpu.memory_space<vmem>> -> memref<32xi32, #tpu.memory_space<vmem>>
    %dma_wait3A_337 = arith.constant 0 : i32
    %dma_wait3A_338 = arith.constant 0 : i32
    %dma_wait3A_339 = tpu.memref_slice %arg2[%dma_wait3A_337, %dma_wait3A_338] : memref<50000x256xf32, #tpu.memory_space<hbm>> -> memref<50000x256xf32, #tpu.memory_space<hbm>>
    tpu.wait_indirect_dma semaphore(%arg20 : memref<!tpu.dma_semaphore, #tpu.memory_space<semaphore_mem>>) src(%dma_wait3A_339 : memref<50000x256xf32, #tpu.memory_space<hbm>>) dst(%arg6 : memref<32x256xf32, #tpu.memory_space<vmem>>)
    %add3A_340 = arith.constant 448 : i32
    %add3A_341 = arith.addi %mul3A_2, %add3A_340 : i32
    %dma_start3A_342 = arith.constant 0 : i32
    %dma_start3A_343 = tpu.memref_slice %arg4[%add3A_341, %dma_start3A_342] : memref<32768x256xf32, #tpu.memory_space<hbm>> -> memref<32x256xf32, #tpu.memory_space<hbm>>
    %dma_start3A_344 = arith.constant 0 : i32
    %dma_start3A_345 = tpu.memref_slice %arg4[%add3A_341, %dma_start3A_344] : memref<32768x256xf32, #tpu.memory_space<hbm>> -> memref<32x256xf32, #tpu.memory_space<hbm>>
    tpu.enqueue_dma source(%arg6 : memref<32x256xf32, #tpu.memory_space<vmem>>) target(%dma_start3A_345 : memref<32x256xf32, #tpu.memory_space<hbm>>) target_semaphore(%arg34 : memref<!tpu.dma_semaphore, #tpu.memory_space<semaphore_mem>>)
    %dma_wait3A_346 = arith.constant 0 : i32
    %dma_wait3A_347 = tpu.memref_slice %arg4[%add3A_301, %dma_wait3A_346] : memref<32768x256xf32, #tpu.memory_space<hbm>> -> memref<32x256xf32, #tpu.memory_space<hbm>>
    %dma_wait3A_348 = arith.constant 0 : i32
    %dma_wait3A_349 = tpu.memref_slice %arg4[%add3A_301, %dma_wait3A_348] : memref<32768x256xf32, #tpu.memory_space<hbm>> -> memref<32x256xf32, #tpu.memory_space<hbm>>
    tpu.wait_dma2 semaphore(%arg46 : memref<!tpu.dma_semaphore, #tpu.memory_space<semaphore_mem>>) src(%arg18 : memref<32x256xf32, #tpu.memory_space<vmem>>) dst(%dma_wait3A_349 : memref<32x256xf32, #tpu.memory_space<hbm>>)
    %dma_start3A_350 = arith.constant 832 : i32
    %dma_start3A_351 = tpu.memref_slice %arg5[%dma_start3A_350] : memref<1024xi32, #tpu.memory_space<vmem>> -> memref<32xi32, #tpu.memory_space<vmem>>
    %dma_start3A_352 = arith.constant 0 : i32
    %dma_start3A_353 = arith.constant 0 : i32
    %dma_start3A_354 = tpu.memref_slice %arg2[%dma_start3A_352, %dma_start3A_353] : memref<50000x256xf32, #tpu.memory_space<hbm>> -> memref<50000x256xf32, #tpu.memory_space<hbm>>
    tpu.enqueue_indirect_dma source(%dma_start3A_354 : memref<50000x256xf32, #tpu.memory_space<hbm>>) target(%arg18 : memref<32x256xf32, #tpu.memory_space<vmem>>) offsets(%dma_start3A_351 : memref<32xi32, #tpu.memory_space<vmem>>) semaphore(%arg32 : memref<!tpu.dma_semaphore, #tpu.memory_space<semaphore_mem>>)
    %dma_wait3A_355 = arith.constant 480 : i32
    %dma_wait3A_356 = tpu.memref_slice %arg5[%dma_wait3A_355] : memref<1024xi32, #tpu.memory_space<vmem>> -> memref<32xi32, #tpu.memory_space<vmem>>
    %dma_wait3A_357 = arith.constant 0 : i32
    %dma_wait3A_358 = arith.constant 0 : i32
    %dma_wait3A_359 = tpu.memref_slice %arg2[%dma_wait3A_357, %dma_wait3A_358] : memref<50000x256xf32, #tpu.memory_space<hbm>> -> memref<50000x256xf32, #tpu.memory_space<hbm>>
    tpu.wait_indirect_dma semaphore(%arg21 : memref<!tpu.dma_semaphore, #tpu.memory_space<semaphore_mem>>) src(%dma_wait3A_359 : memref<50000x256xf32, #tpu.memory_space<hbm>>) dst(%arg7 : memref<32x256xf32, #tpu.memory_space<vmem>>)
    %add3A_360 = arith.constant 480 : i32
    %add3A_361 = arith.addi %mul3A_2, %add3A_360 : i32
    %dma_start3A_362 = arith.constant 0 : i32
    %dma_start3A_363 = tpu.memref_slice %arg4[%add3A_361, %dma_start3A_362] : memref<32768x256xf32, #tpu.memory_space<hbm>> -> memref<32x256xf32, #tpu.memory_space<hbm>>
    %dma_start3A_364 = arith.constant 0 : i32
    %dma_start3A_365 = tpu.memref_slice %arg4[%add3A_361, %dma_start3A_364] : memref<32768x256xf32, #tpu.memory_space<hbm>> -> memref<32x256xf32, #tpu.memory_space<hbm>>
    tpu.enqueue_dma source(%arg7 : memref<32x256xf32, #tpu.memory_space<vmem>>) target(%dma_start3A_365 : memref<32x256xf32, #tpu.memory_space<hbm>>) target_semaphore(%arg35 : memref<!tpu.dma_semaphore, #tpu.memory_space<semaphore_mem>>)
    %dma_wait3A_366 = arith.constant 0 : i32
    %dma_wait3A_367 = tpu.memref_slice %arg4[%add3A_321, %dma_wait3A_366] : memref<32768x256xf32, #tpu.memory_space<hbm>> -> memref<32x256xf32, #tpu.memory_space<hbm>>
    %dma_wait3A_368 = arith.constant 0 : i32
    %dma_wait3A_369 = tpu.memref_slice %arg4[%add3A_321, %dma_wait3A_368] : memref<32768x256xf32, #tpu.memory_space<hbm>> -> memref<32x256xf32, #tpu.memory_space<hbm>>
    tpu.wait_dma2 semaphore(%arg47 : memref<!tpu.dma_semaphore, #tpu.memory_space<semaphore_mem>>) src(%arg19 : memref<32x256xf32, #tpu.memory_space<vmem>>) dst(%dma_wait3A_369 : memref<32x256xf32, #tpu.memory_space<hbm>>)
    %dma_start3A_370 = arith.constant 864 : i32
    %dma_start3A_371 = tpu.memref_slice %arg5[%dma_start3A_370] : memref<1024xi32, #tpu.memory_space<vmem>> -> memref<32xi32, #tpu.memory_space<vmem>>
    %dma_start3A_372 = arith.constant 0 : i32
    %dma_start3A_373 = arith.constant 0 : i32
    %dma_start3A_374 = tpu.memref_slice %arg2[%dma_start3A_372, %dma_start3A_373] : memref<50000x256xf32, #tpu.memory_space<hbm>> -> memref<50000x256xf32, #tpu.memory_space<hbm>>
    tpu.enqueue_indirect_dma source(%dma_start3A_374 : memref<50000x256xf32, #tpu.memory_space<hbm>>) target(%arg19 : memref<32x256xf32, #tpu.memory_space<vmem>>) offsets(%dma_start3A_371 : memref<32xi32, #tpu.memory_space<vmem>>) semaphore(%arg33 : memref<!tpu.dma_semaphore, #tpu.memory_space<semaphore_mem>>)
    %dma_wait3A_375 = arith.constant 512 : i32
    %dma_wait3A_376 = tpu.memref_slice %arg5[%dma_wait3A_375] : memref<1024xi32, #tpu.memory_space<vmem>> -> memref<32xi32, #tpu.memory_space<vmem>>
    %dma_wait3A_377 = arith.constant 0 : i32
    %dma_wait3A_378 = arith.constant 0 : i32
    %dma_wait3A_379 = tpu.memref_slice %arg2[%dma_wait3A_377, %dma_wait3A_378] : memref<50000x256xf32, #tpu.memory_space<hbm>> -> memref<50000x256xf32, #tpu.memory_space<hbm>>
    tpu.wait_indirect_dma semaphore(%arg22 : memref<!tpu.dma_semaphore, #tpu.memory_space<semaphore_mem>>) src(%dma_wait3A_379 : memref<50000x256xf32, #tpu.memory_space<hbm>>) dst(%arg8 : memref<32x256xf32, #tpu.memory_space<vmem>>)
    %add3A_380 = arith.constant 512 : i32
    %add3A_381 = arith.addi %mul3A_2, %add3A_380 : i32
    %dma_start3A_382 = arith.constant 0 : i32
    %dma_start3A_383 = tpu.memref_slice %arg4[%add3A_381, %dma_start3A_382] : memref<32768x256xf32, #tpu.memory_space<hbm>> -> memref<32x256xf32, #tpu.memory_space<hbm>>
    %dma_start3A_384 = arith.constant 0 : i32
    %dma_start3A_385 = tpu.memref_slice %arg4[%add3A_381, %dma_start3A_384] : memref<32768x256xf32, #tpu.memory_space<hbm>> -> memref<32x256xf32, #tpu.memory_space<hbm>>
    tpu.enqueue_dma source(%arg8 : memref<32x256xf32, #tpu.memory_space<vmem>>) target(%dma_start3A_385 : memref<32x256xf32, #tpu.memory_space<hbm>>) target_semaphore(%arg36 : memref<!tpu.dma_semaphore, #tpu.memory_space<semaphore_mem>>)
    %dma_wait3A_386 = arith.constant 0 : i32
    %dma_wait3A_387 = tpu.memref_slice %arg4[%add3A_341, %dma_wait3A_386] : memref<32768x256xf32, #tpu.memory_space<hbm>> -> memref<32x256xf32, #tpu.memory_space<hbm>>
    %dma_wait3A_388 = arith.constant 0 : i32
    %dma_wait3A_389 = tpu.memref_slice %arg4[%add3A_341, %dma_wait3A_388] : memref<32768x256xf32, #tpu.memory_space<hbm>> -> memref<32x256xf32, #tpu.memory_space<hbm>>
    tpu.wait_dma2 semaphore(%arg34 : memref<!tpu.dma_semaphore, #tpu.memory_space<semaphore_mem>>) src(%arg6 : memref<32x256xf32, #tpu.memory_space<vmem>>) dst(%dma_wait3A_389 : memref<32x256xf32, #tpu.memory_space<hbm>>)
    %dma_start3A_390 = arith.constant 896 : i32
    %dma_start3A_391 = tpu.memref_slice %arg5[%dma_start3A_390] : memref<1024xi32, #tpu.memory_space<vmem>> -> memref<32xi32, #tpu.memory_space<vmem>>
    %dma_start3A_392 = arith.constant 0 : i32
    %dma_start3A_393 = arith.constant 0 : i32
    %dma_start3A_394 = tpu.memref_slice %arg2[%dma_start3A_392, %dma_start3A_393] : memref<50000x256xf32, #tpu.memory_space<hbm>> -> memref<50000x256xf32, #tpu.memory_space<hbm>>
    tpu.enqueue_indirect_dma source(%dma_start3A_394 : memref<50000x256xf32, #tpu.memory_space<hbm>>) target(%arg6 : memref<32x256xf32, #tpu.memory_space<vmem>>) offsets(%dma_start3A_391 : memref<32xi32, #tpu.memory_space<vmem>>) semaphore(%arg20 : memref<!tpu.dma_semaphore, #tpu.memory_space<semaphore_mem>>)
    %dma_wait3A_395 = arith.constant 544 : i32
    %dma_wait3A_396 = tpu.memref_slice %arg5[%dma_wait3A_395] : memref<1024xi32, #tpu.memory_space<vmem>> -> memref<32xi32, #tpu.memory_space<vmem>>
    %dma_wait3A_397 = arith.constant 0 : i32
    %dma_wait3A_398 = arith.constant 0 : i32
    %dma_wait3A_399 = tpu.memref_slice %arg2[%dma_wait3A_397, %dma_wait3A_398] : memref<50000x256xf32, #tpu.memory_space<hbm>> -> memref<50000x256xf32, #tpu.memory_space<hbm>>
    tpu.wait_indirect_dma semaphore(%arg23 : memref<!tpu.dma_semaphore, #tpu.memory_space<semaphore_mem>>) src(%dma_wait3A_399 : memref<50000x256xf32, #tpu.memory_space<hbm>>) dst(%arg9 : memref<32x256xf32, #tpu.memory_space<vmem>>)
    %add3A_400 = arith.constant 544 : i32
    %add3A_401 = arith.addi %mul3A_2, %add3A_400 : i32
    %dma_start3A_402 = arith.constant 0 : i32
    %dma_start3A_403 = tpu.memref_slice %arg4[%add3A_401, %dma_start3A_402] : memref<32768x256xf32, #tpu.memory_space<hbm>> -> memref<32x256xf32, #tpu.memory_space<hbm>>
    %dma_start3A_404 = arith.constant 0 : i32
    %dma_start3A_405 = tpu.memref_slice %arg4[%add3A_401, %dma_start3A_404] : memref<32768x256xf32, #tpu.memory_space<hbm>> -> memref<32x256xf32, #tpu.memory_space<hbm>>
    tpu.enqueue_dma source(%arg9 : memref<32x256xf32, #tpu.memory_space<vmem>>) target(%dma_start3A_405 : memref<32x256xf32, #tpu.memory_space<hbm>>) target_semaphore(%arg37 : memref<!tpu.dma_semaphore, #tpu.memory_space<semaphore_mem>>)
    %dma_wait3A_406 = arith.constant 0 : i32
    %dma_wait3A_407 = tpu.memref_slice %arg4[%add3A_361, %dma_wait3A_406] : memref<32768x256xf32, #tpu.memory_space<hbm>> -> memref<32x256xf32, #tpu.memory_space<hbm>>
    %dma_wait3A_408 = arith.constant 0 : i32
    %dma_wait3A_409 = tpu.memref_slice %arg4[%add3A_361, %dma_wait3A_408] : memref<32768x256xf32, #tpu.memory_space<hbm>> -> memref<32x256xf32, #tpu.memory_space<hbm>>
    tpu.wait_dma2 semaphore(%arg35 : memref<!tpu.dma_semaphore, #tpu.memory_space<semaphore_mem>>) src(%arg7 : memref<32x256xf32, #tpu.memory_space<vmem>>) dst(%dma_wait3A_409 : memref<32x256xf32, #tpu.memory_space<hbm>>)
    %dma_start3A_410 = arith.constant 928 : i32
    %dma_start3A_411 = tpu.memref_slice %arg5[%dma_start3A_410] : memref<1024xi32, #tpu.memory_space<vmem>> -> memref<32xi32, #tpu.memory_space<vmem>>
    %dma_start3A_412 = arith.constant 0 : i32
    %dma_start3A_413 = arith.constant 0 : i32
    %dma_start3A_414 = tpu.memref_slice %arg2[%dma_start3A_412, %dma_start3A_413] : memref<50000x256xf32, #tpu.memory_space<hbm>> -> memref<50000x256xf32, #tpu.memory_space<hbm>>
    tpu.enqueue_indirect_dma source(%dma_start3A_414 : memref<50000x256xf32, #tpu.memory_space<hbm>>) target(%arg7 : memref<32x256xf32, #tpu.memory_space<vmem>>) offsets(%dma_start3A_411 : memref<32xi32, #tpu.memory_space<vmem>>) semaphore(%arg21 : memref<!tpu.dma_semaphore, #tpu.memory_space<semaphore_mem>>)
    %dma_wait3A_415 = arith.constant 576 : i32
    %dma_wait3A_416 = tpu.memref_slice %arg5[%dma_wait3A_415] : memref<1024xi32, #tpu.memory_space<vmem>> -> memref<32xi32, #tpu.memory_space<vmem>>
    %dma_wait3A_417 = arith.constant 0 : i32
    %dma_wait3A_418 = arith.constant 0 : i32
    %dma_wait3A_419 = tpu.memref_slice %arg2[%dma_wait3A_417, %dma_wait3A_418] : memref<50000x256xf32, #tpu.memory_space<hbm>> -> memref<50000x256xf32, #tpu.memory_space<hbm>>
    tpu.wait_indirect_dma semaphore(%arg24 : memref<!tpu.dma_semaphore, #tpu.memory_space<semaphore_mem>>) src(%dma_wait3A_419 : memref<50000x256xf32, #tpu.memory_space<hbm>>) dst(%arg10 : memref<32x256xf32, #tpu.memory_space<vmem>>)
    %add3A_420 = arith.constant 576 : i32
    %add3A_421 = arith.addi %mul3A_2, %add3A_420 : i32
    %dma_start3A_422 = arith.constant 0 : i32
    %dma_start3A_423 = tpu.memref_slice %arg4[%add3A_421, %dma_start3A_422] : memref<32768x256xf32, #tpu.memory_space<hbm>> -> memref<32x256xf32, #tpu.memory_space<hbm>>
    %dma_start3A_424 = arith.constant 0 : i32
    %dma_start3A_425 = tpu.memref_slice %arg4[%add3A_421, %dma_start3A_424] : memref<32768x256xf32, #tpu.memory_space<hbm>> -> memref<32x256xf32, #tpu.memory_space<hbm>>
    tpu.enqueue_dma source(%arg10 : memref<32x256xf32, #tpu.memory_space<vmem>>) target(%dma_start3A_425 : memref<32x256xf32, #tpu.memory_space<hbm>>) target_semaphore(%arg38 : memref<!tpu.dma_semaphore, #tpu.memory_space<semaphore_mem>>)
    %dma_wait3A_426 = arith.constant 0 : i32
    %dma_wait3A_427 = tpu.memref_slice %arg4[%add3A_381, %dma_wait3A_426] : memref<32768x256xf32, #tpu.memory_space<hbm>> -> memref<32x256xf32, #tpu.memory_space<hbm>>
    %dma_wait3A_428 = arith.constant 0 : i32
    %dma_wait3A_429 = tpu.memref_slice %arg4[%add3A_381, %dma_wait3A_428] : memref<32768x256xf32, #tpu.memory_space<hbm>> -> memref<32x256xf32, #tpu.memory_space<hbm>>
    tpu.wait_dma2 semaphore(%arg36 : memref<!tpu.dma_semaphore, #tpu.memory_space<semaphore_mem>>) src(%arg8 : memref<32x256xf32, #tpu.memory_space<vmem>>) dst(%dma_wait3A_429 : memref<32x256xf32, #tpu.memory_space<hbm>>)
    %dma_start3A_430 = arith.constant 960 : i32
    %dma_start3A_431 = tpu.memref_slice %arg5[%dma_start3A_430] : memref<1024xi32, #tpu.memory_space<vmem>> -> memref<32xi32, #tpu.memory_space<vmem>>
    %dma_start3A_432 = arith.constant 0 : i32
    %dma_start3A_433 = arith.constant 0 : i32
    %dma_start3A_434 = tpu.memref_slice %arg2[%dma_start3A_432, %dma_start3A_433] : memref<50000x256xf32, #tpu.memory_space<hbm>> -> memref<50000x256xf32, #tpu.memory_space<hbm>>
    tpu.enqueue_indirect_dma source(%dma_start3A_434 : memref<50000x256xf32, #tpu.memory_space<hbm>>) target(%arg8 : memref<32x256xf32, #tpu.memory_space<vmem>>) offsets(%dma_start3A_431 : memref<32xi32, #tpu.memory_space<vmem>>) semaphore(%arg22 : memref<!tpu.dma_semaphore, #tpu.memory_space<semaphore_mem>>)
    %dma_wait3A_435 = arith.constant 608 : i32
    %dma_wait3A_436 = tpu.memref_slice %arg5[%dma_wait3A_435] : memref<1024xi32, #tpu.memory_space<vmem>> -> memref<32xi32, #tpu.memory_space<vmem>>
    %dma_wait3A_437 = arith.constant 0 : i32
    %dma_wait3A_438 = arith.constant 0 : i32
    %dma_wait3A_439 = tpu.memref_slice %arg2[%dma_wait3A_437, %dma_wait3A_438] : memref<50000x256xf32, #tpu.memory_space<hbm>> -> memref<50000x256xf32, #tpu.memory_space<hbm>>
    tpu.wait_indirect_dma semaphore(%arg25 : memref<!tpu.dma_semaphore, #tpu.memory_space<semaphore_mem>>) src(%dma_wait3A_439 : memref<50000x256xf32, #tpu.memory_space<hbm>>) dst(%arg11 : memref<32x256xf32, #tpu.memory_space<vmem>>)
    %add3A_440 = arith.constant 608 : i32
    %add3A_441 = arith.addi %mul3A_2, %add3A_440 : i32
    %dma_start3A_442 = arith.constant 0 : i32
    %dma_start3A_443 = tpu.memref_slice %arg4[%add3A_441, %dma_start3A_442] : memref<32768x256xf32, #tpu.memory_space<hbm>> -> memref<32x256xf32, #tpu.memory_space<hbm>>
    %dma_start3A_444 = arith.constant 0 : i32
    %dma_start3A_445 = tpu.memref_slice %arg4[%add3A_441, %dma_start3A_444] : memref<32768x256xf32, #tpu.memory_space<hbm>> -> memref<32x256xf32, #tpu.memory_space<hbm>>
    tpu.enqueue_dma source(%arg11 : memref<32x256xf32, #tpu.memory_space<vmem>>) target(%dma_start3A_445 : memref<32x256xf32, #tpu.memory_space<hbm>>) target_semaphore(%arg39 : memref<!tpu.dma_semaphore, #tpu.memory_space<semaphore_mem>>)
    %dma_wait3A_446 = arith.constant 0 : i32
    %dma_wait3A_447 = tpu.memref_slice %arg4[%add3A_401, %dma_wait3A_446] : memref<32768x256xf32, #tpu.memory_space<hbm>> -> memref<32x256xf32, #tpu.memory_space<hbm>>
    %dma_wait3A_448 = arith.constant 0 : i32
    %dma_wait3A_449 = tpu.memref_slice %arg4[%add3A_401, %dma_wait3A_448] : memref<32768x256xf32, #tpu.memory_space<hbm>> -> memref<32x256xf32, #tpu.memory_space<hbm>>
    tpu.wait_dma2 semaphore(%arg37 : memref<!tpu.dma_semaphore, #tpu.memory_space<semaphore_mem>>) src(%arg9 : memref<32x256xf32, #tpu.memory_space<vmem>>) dst(%dma_wait3A_449 : memref<32x256xf32, #tpu.memory_space<hbm>>)
    %dma_start3A_450 = arith.constant 992 : i32
    %dma_start3A_451 = tpu.memref_slice %arg5[%dma_start3A_450] : memref<1024xi32, #tpu.memory_space<vmem>> -> memref<32xi32, #tpu.memory_space<vmem>>
    %dma_start3A_452 = arith.constant 0 : i32
    %dma_start3A_453 = arith.constant 0 : i32
    %dma_start3A_454 = tpu.memref_slice %arg2[%dma_start3A_452, %dma_start3A_453] : memref<50000x256xf32, #tpu.memory_space<hbm>> -> memref<50000x256xf32, #tpu.memory_space<hbm>>
    tpu.enqueue_indirect_dma source(%dma_start3A_454 : memref<50000x256xf32, #tpu.memory_space<hbm>>) target(%arg9 : memref<32x256xf32, #tpu.memory_space<vmem>>) offsets(%dma_start3A_451 : memref<32xi32, #tpu.memory_space<vmem>>) semaphore(%arg23 : memref<!tpu.dma_semaphore, #tpu.memory_space<semaphore_mem>>)
    %dma_wait3A_455 = arith.constant 640 : i32
    %dma_wait3A_456 = tpu.memref_slice %arg5[%dma_wait3A_455] : memref<1024xi32, #tpu.memory_space<vmem>> -> memref<32xi32, #tpu.memory_space<vmem>>
    %dma_wait3A_457 = arith.constant 0 : i32
    %dma_wait3A_458 = arith.constant 0 : i32
    %dma_wait3A_459 = tpu.memref_slice %arg2[%dma_wait3A_457, %dma_wait3A_458] : memref<50000x256xf32, #tpu.memory_space<hbm>> -> memref<50000x256xf32, #tpu.memory_space<hbm>>
    tpu.wait_indirect_dma semaphore(%arg26 : memref<!tpu.dma_semaphore, #tpu.memory_space<semaphore_mem>>) src(%dma_wait3A_459 : memref<50000x256xf32, #tpu.memory_space<hbm>>) dst(%arg12 : memref<32x256xf32, #tpu.memory_space<vmem>>)
    %add3A_460 = arith.constant 640 : i32
    %add3A_461 = arith.addi %mul3A_2, %add3A_460 : i32
    %dma_start3A_462 = arith.constant 0 : i32
    %dma_start3A_463 = tpu.memref_slice %arg4[%add3A_461, %dma_start3A_462] : memref<32768x256xf32, #tpu.memory_space<hbm>> -> memref<32x256xf32, #tpu.memory_space<hbm>>
    %dma_start3A_464 = arith.constant 0 : i32
    %dma_start3A_465 = tpu.memref_slice %arg4[%add3A_461, %dma_start3A_464] : memref<32768x256xf32, #tpu.memory_space<hbm>> -> memref<32x256xf32, #tpu.memory_space<hbm>>
    tpu.enqueue_dma source(%arg12 : memref<32x256xf32, #tpu.memory_space<vmem>>) target(%dma_start3A_465 : memref<32x256xf32, #tpu.memory_space<hbm>>) target_semaphore(%arg40 : memref<!tpu.dma_semaphore, #tpu.memory_space<semaphore_mem>>)
    %dma_wait3A_466 = arith.constant 672 : i32
    %dma_wait3A_467 = tpu.memref_slice %arg5[%dma_wait3A_466] : memref<1024xi32, #tpu.memory_space<vmem>> -> memref<32xi32, #tpu.memory_space<vmem>>
    %dma_wait3A_468 = arith.constant 0 : i32
    %dma_wait3A_469 = arith.constant 0 : i32
    %dma_wait3A_470 = tpu.memref_slice %arg2[%dma_wait3A_468, %dma_wait3A_469] : memref<50000x256xf32, #tpu.memory_space<hbm>> -> memref<50000x256xf32, #tpu.memory_space<hbm>>
    tpu.wait_indirect_dma semaphore(%arg27 : memref<!tpu.dma_semaphore, #tpu.memory_space<semaphore_mem>>) src(%dma_wait3A_470 : memref<50000x256xf32, #tpu.memory_space<hbm>>) dst(%arg13 : memref<32x256xf32, #tpu.memory_space<vmem>>)
    %add3A_471 = arith.constant 672 : i32
    %add3A_472 = arith.addi %mul3A_2, %add3A_471 : i32
    %dma_start3A_473 = arith.constant 0 : i32
    %dma_start3A_474 = tpu.memref_slice %arg4[%add3A_472, %dma_start3A_473] : memref<32768x256xf32, #tpu.memory_space<hbm>> -> memref<32x256xf32, #tpu.memory_space<hbm>>
    %dma_start3A_475 = arith.constant 0 : i32
    %dma_start3A_476 = tpu.memref_slice %arg4[%add3A_472, %dma_start3A_475] : memref<32768x256xf32, #tpu.memory_space<hbm>> -> memref<32x256xf32, #tpu.memory_space<hbm>>
    tpu.enqueue_dma source(%arg13 : memref<32x256xf32, #tpu.memory_space<vmem>>) target(%dma_start3A_476 : memref<32x256xf32, #tpu.memory_space<hbm>>) target_semaphore(%arg41 : memref<!tpu.dma_semaphore, #tpu.memory_space<semaphore_mem>>)
    %dma_wait3A_477 = arith.constant 704 : i32
    %dma_wait3A_478 = tpu.memref_slice %arg5[%dma_wait3A_477] : memref<1024xi32, #tpu.memory_space<vmem>> -> memref<32xi32, #tpu.memory_space<vmem>>
    %dma_wait3A_479 = arith.constant 0 : i32
    %dma_wait3A_480 = arith.constant 0 : i32
    %dma_wait3A_481 = tpu.memref_slice %arg2[%dma_wait3A_479, %dma_wait3A_480] : memref<50000x256xf32, #tpu.memory_space<hbm>> -> memref<50000x256xf32, #tpu.memory_space<hbm>>
    tpu.wait_indirect_dma semaphore(%arg28 : memref<!tpu.dma_semaphore, #tpu.memory_space<semaphore_mem>>) src(%dma_wait3A_481 : memref<50000x256xf32, #tpu.memory_space<hbm>>) dst(%arg14 : memref<32x256xf32, #tpu.memory_space<vmem>>)
    %add3A_482 = arith.constant 704 : i32
    %add3A_483 = arith.addi %mul3A_2, %add3A_482 : i32
    %dma_start3A_484 = arith.constant 0 : i32
    %dma_start3A_485 = tpu.memref_slice %arg4[%add3A_483, %dma_start3A_484] : memref<32768x256xf32, #tpu.memory_space<hbm>> -> memref<32x256xf32, #tpu.memory_space<hbm>>
    %dma_start3A_486 = arith.constant 0 : i32
    %dma_start3A_487 = tpu.memref_slice %arg4[%add3A_483, %dma_start3A_486] : memref<32768x256xf32, #tpu.memory_space<hbm>> -> memref<32x256xf32, #tpu.memory_space<hbm>>
    tpu.enqueue_dma source(%arg14 : memref<32x256xf32, #tpu.memory_space<vmem>>) target(%dma_start3A_487 : memref<32x256xf32, #tpu.memory_space<hbm>>) target_semaphore(%arg42 : memref<!tpu.dma_semaphore, #tpu.memory_space<semaphore_mem>>)
    %dma_wait3A_488 = arith.constant 736 : i32
    %dma_wait3A_489 = tpu.memref_slice %arg5[%dma_wait3A_488] : memref<1024xi32, #tpu.memory_space<vmem>> -> memref<32xi32, #tpu.memory_space<vmem>>
    %dma_wait3A_490 = arith.constant 0 : i32
    %dma_wait3A_491 = arith.constant 0 : i32
    %dma_wait3A_492 = tpu.memref_slice %arg2[%dma_wait3A_490, %dma_wait3A_491] : memref<50000x256xf32, #tpu.memory_space<hbm>> -> memref<50000x256xf32, #tpu.memory_space<hbm>>
    tpu.wait_indirect_dma semaphore(%arg29 : memref<!tpu.dma_semaphore, #tpu.memory_space<semaphore_mem>>) src(%dma_wait3A_492 : memref<50000x256xf32, #tpu.memory_space<hbm>>) dst(%arg15 : memref<32x256xf32, #tpu.memory_space<vmem>>)
    %add3A_493 = arith.constant 736 : i32
    %add3A_494 = arith.addi %mul3A_2, %add3A_493 : i32
    %dma_start3A_495 = arith.constant 0 : i32
    %dma_start3A_496 = tpu.memref_slice %arg4[%add3A_494, %dma_start3A_495] : memref<32768x256xf32, #tpu.memory_space<hbm>> -> memref<32x256xf32, #tpu.memory_space<hbm>>
    %dma_start3A_497 = arith.constant 0 : i32
    %dma_start3A_498 = tpu.memref_slice %arg4[%add3A_494, %dma_start3A_497] : memref<32768x256xf32, #tpu.memory_space<hbm>> -> memref<32x256xf32, #tpu.memory_space<hbm>>
    tpu.enqueue_dma source(%arg15 : memref<32x256xf32, #tpu.memory_space<vmem>>) target(%dma_start3A_498 : memref<32x256xf32, #tpu.memory_space<hbm>>) target_semaphore(%arg43 : memref<!tpu.dma_semaphore, #tpu.memory_space<semaphore_mem>>)
    %dma_wait3A_499 = arith.constant 768 : i32
    %dma_wait3A_500 = tpu.memref_slice %arg5[%dma_wait3A_499] : memref<1024xi32, #tpu.memory_space<vmem>> -> memref<32xi32, #tpu.memory_space<vmem>>
    %dma_wait3A_501 = arith.constant 0 : i32
    %dma_wait3A_502 = arith.constant 0 : i32
    %dma_wait3A_503 = tpu.memref_slice %arg2[%dma_wait3A_501, %dma_wait3A_502] : memref<50000x256xf32, #tpu.memory_space<hbm>> -> memref<50000x256xf32, #tpu.memory_space<hbm>>
    tpu.wait_indirect_dma semaphore(%arg30 : memref<!tpu.dma_semaphore, #tpu.memory_space<semaphore_mem>>) src(%dma_wait3A_503 : memref<50000x256xf32, #tpu.memory_space<hbm>>) dst(%arg16 : memref<32x256xf32, #tpu.memory_space<vmem>>)
    %add3A_504 = arith.constant 768 : i32
    %add3A_505 = arith.addi %mul3A_2, %add3A_504 : i32
    %dma_start3A_506 = arith.constant 0 : i32
    %dma_start3A_507 = tpu.memref_slice %arg4[%add3A_505, %dma_start3A_506] : memref<32768x256xf32, #tpu.memory_space<hbm>> -> memref<32x256xf32, #tpu.memory_space<hbm>>
    %dma_start3A_508 = arith.constant 0 : i32
    %dma_start3A_509 = tpu.memref_slice %arg4[%add3A_505, %dma_start3A_508] : memref<32768x256xf32, #tpu.memory_space<hbm>> -> memref<32x256xf32, #tpu.memory_space<hbm>>
    tpu.enqueue_dma source(%arg16 : memref<32x256xf32, #tpu.memory_space<vmem>>) target(%dma_start3A_509 : memref<32x256xf32, #tpu.memory_space<hbm>>) target_semaphore(%arg44 : memref<!tpu.dma_semaphore, #tpu.memory_space<semaphore_mem>>)
    %dma_wait3A_510 = arith.constant 800 : i32
    %dma_wait3A_511 = tpu.memref_slice %arg5[%dma_wait3A_510] : memref<1024xi32, #tpu.memory_space<vmem>> -> memref<32xi32, #tpu.memory_space<vmem>>
    %dma_wait3A_512 = arith.constant 0 : i32
    %dma_wait3A_513 = arith.constant 0 : i32
    %dma_wait3A_514 = tpu.memref_slice %arg2[%dma_wait3A_512, %dma_wait3A_513] : memref<50000x256xf32, #tpu.memory_space<hbm>> -> memref<50000x256xf32, #tpu.memory_space<hbm>>
    tpu.wait_indirect_dma semaphore(%arg31 : memref<!tpu.dma_semaphore, #tpu.memory_space<semaphore_mem>>) src(%dma_wait3A_514 : memref<50000x256xf32, #tpu.memory_space<hbm>>) dst(%arg17 : memref<32x256xf32, #tpu.memory_space<vmem>>)
    %add3A_515 = arith.constant 800 : i32
    %add3A_516 = arith.addi %mul3A_2, %add3A_515 : i32
    %dma_start3A_517 = arith.constant 0 : i32
    %dma_start3A_518 = tpu.memref_slice %arg4[%add3A_516, %dma_start3A_517] : memref<32768x256xf32, #tpu.memory_space<hbm>> -> memref<32x256xf32, #tpu.memory_space<hbm>>
    %dma_start3A_519 = arith.constant 0 : i32
    %dma_start3A_520 = tpu.memref_slice %arg4[%add3A_516, %dma_start3A_519] : memref<32768x256xf32, #tpu.memory_space<hbm>> -> memref<32x256xf32, #tpu.memory_space<hbm>>
    tpu.enqueue_dma source(%arg17 : memref<32x256xf32, #tpu.memory_space<vmem>>) target(%dma_start3A_520 : memref<32x256xf32, #tpu.memory_space<hbm>>) target_semaphore(%arg45 : memref<!tpu.dma_semaphore, #tpu.memory_space<semaphore_mem>>)
    %dma_wait3A_521 = arith.constant 832 : i32
    %dma_wait3A_522 = tpu.memref_slice %arg5[%dma_wait3A_521] : memref<1024xi32, #tpu.memory_space<vmem>> -> memref<32xi32, #tpu.memory_space<vmem>>
    %dma_wait3A_523 = arith.constant 0 : i32
    %dma_wait3A_524 = arith.constant 0 : i32
    %dma_wait3A_525 = tpu.memref_slice %arg2[%dma_wait3A_523, %dma_wait3A_524] : memref<50000x256xf32, #tpu.memory_space<hbm>> -> memref<50000x256xf32, #tpu.memory_space<hbm>>
    tpu.wait_indirect_dma semaphore(%arg32 : memref<!tpu.dma_semaphore, #tpu.memory_space<semaphore_mem>>) src(%dma_wait3A_525 : memref<50000x256xf32, #tpu.memory_space<hbm>>) dst(%arg18 : memref<32x256xf32, #tpu.memory_space<vmem>>)
    %add3A_526 = arith.constant 832 : i32
    %add3A_527 = arith.addi %mul3A_2, %add3A_526 : i32
    %dma_start3A_528 = arith.constant 0 : i32
    %dma_start3A_529 = tpu.memref_slice %arg4[%add3A_527, %dma_start3A_528] : memref<32768x256xf32, #tpu.memory_space<hbm>> -> memref<32x256xf32, #tpu.memory_space<hbm>>
    %dma_start3A_530 = arith.constant 0 : i32
    %dma_start3A_531 = tpu.memref_slice %arg4[%add3A_527, %dma_start3A_530] : memref<32768x256xf32, #tpu.memory_space<hbm>> -> memref<32x256xf32, #tpu.memory_space<hbm>>
    tpu.enqueue_dma source(%arg18 : memref<32x256xf32, #tpu.memory_space<vmem>>) target(%dma_start3A_531 : memref<32x256xf32, #tpu.memory_space<hbm>>) target_semaphore(%arg46 : memref<!tpu.dma_semaphore, #tpu.memory_space<semaphore_mem>>)
    %dma_wait3A_532 = arith.constant 864 : i32
    %dma_wait3A_533 = tpu.memref_slice %arg5[%dma_wait3A_532] : memref<1024xi32, #tpu.memory_space<vmem>> -> memref<32xi32, #tpu.memory_space<vmem>>
    %dma_wait3A_534 = arith.constant 0 : i32
    %dma_wait3A_535 = arith.constant 0 : i32
    %dma_wait3A_536 = tpu.memref_slice %arg2[%dma_wait3A_534, %dma_wait3A_535] : memref<50000x256xf32, #tpu.memory_space<hbm>> -> memref<50000x256xf32, #tpu.memory_space<hbm>>
    tpu.wait_indirect_dma semaphore(%arg33 : memref<!tpu.dma_semaphore, #tpu.memory_space<semaphore_mem>>) src(%dma_wait3A_536 : memref<50000x256xf32, #tpu.memory_space<hbm>>) dst(%arg19 : memref<32x256xf32, #tpu.memory_space<vmem>>)
    %add3A_537 = arith.constant 864 : i32
    %add3A_538 = arith.addi %mul3A_2, %add3A_537 : i32
    %dma_start3A_539 = arith.constant 0 : i32
    %dma_start3A_540 = tpu.memref_slice %arg4[%add3A_538, %dma_start3A_539] : memref<32768x256xf32, #tpu.memory_space<hbm>> -> memref<32x256xf32, #tpu.memory_space<hbm>>
    %dma_start3A_541 = arith.constant 0 : i32
    %dma_start3A_542 = tpu.memref_slice %arg4[%add3A_538, %dma_start3A_541] : memref<32768x256xf32, #tpu.memory_space<hbm>> -> memref<32x256xf32, #tpu.memory_space<hbm>>
    tpu.enqueue_dma source(%arg19 : memref<32x256xf32, #tpu.memory_space<vmem>>) target(%dma_start3A_542 : memref<32x256xf32, #tpu.memory_space<hbm>>) target_semaphore(%arg47 : memref<!tpu.dma_semaphore, #tpu.memory_space<semaphore_mem>>)
    %dma_wait3A_543 = arith.constant 896 : i32
    %dma_wait3A_544 = tpu.memref_slice %arg5[%dma_wait3A_543] : memref<1024xi32, #tpu.memory_space<vmem>> -> memref<32xi32, #tpu.memory_space<vmem>>
    %dma_wait3A_545 = arith.constant 0 : i32
    %dma_wait3A_546 = arith.constant 0 : i32
    %dma_wait3A_547 = tpu.memref_slice %arg2[%dma_wait3A_545, %dma_wait3A_546] : memref<50000x256xf32, #tpu.memory_space<hbm>> -> memref<50000x256xf32, #tpu.memory_space<hbm>>
    tpu.wait_indirect_dma semaphore(%arg20 : memref<!tpu.dma_semaphore, #tpu.memory_space<semaphore_mem>>) src(%dma_wait3A_547 : memref<50000x256xf32, #tpu.memory_space<hbm>>) dst(%arg6 : memref<32x256xf32, #tpu.memory_space<vmem>>)
    %add3A_548 = arith.constant 896 : i32
    %add3A_549 = arith.addi %mul3A_2, %add3A_548 : i32
    %dma_start3A_550 = arith.constant 0 : i32
    %dma_start3A_551 = tpu.memref_slice %arg4[%add3A_549, %dma_start3A_550] : memref<32768x256xf32, #tpu.memory_space<hbm>> -> memref<32x256xf32, #tpu.memory_space<hbm>>
    %dma_start3A_552 = arith.constant 0 : i32
    %dma_start3A_553 = tpu.memref_slice %arg4[%add3A_549, %dma_start3A_552] : memref<32768x256xf32, #tpu.memory_space<hbm>> -> memref<32x256xf32, #tpu.memory_space<hbm>>
    tpu.enqueue_dma source(%arg6 : memref<32x256xf32, #tpu.memory_space<vmem>>) target(%dma_start3A_553 : memref<32x256xf32, #tpu.memory_space<hbm>>) target_semaphore(%arg34 : memref<!tpu.dma_semaphore, #tpu.memory_space<semaphore_mem>>)
    %dma_wait3A_554 = arith.constant 928 : i32
    %dma_wait3A_555 = tpu.memref_slice %arg5[%dma_wait3A_554] : memref<1024xi32, #tpu.memory_space<vmem>> -> memref<32xi32, #tpu.memory_space<vmem>>
    %dma_wait3A_556 = arith.constant 0 : i32
    %dma_wait3A_557 = arith.constant 0 : i32
    %dma_wait3A_558 = tpu.memref_slice %arg2[%dma_wait3A_556, %dma_wait3A_557] : memref<50000x256xf32, #tpu.memory_space<hbm>> -> memref<50000x256xf32, #tpu.memory_space<hbm>>
    tpu.wait_indirect_dma semaphore(%arg21 : memref<!tpu.dma_semaphore, #tpu.memory_space<semaphore_mem>>) src(%dma_wait3A_558 : memref<50000x256xf32, #tpu.memory_space<hbm>>) dst(%arg7 : memref<32x256xf32, #tpu.memory_space<vmem>>)
    %add3A_559 = arith.constant 928 : i32
    %add3A_560 = arith.addi %mul3A_2, %add3A_559 : i32
    %dma_start3A_561 = arith.constant 0 : i32
    %dma_start3A_562 = tpu.memref_slice %arg4[%add3A_560, %dma_start3A_561] : memref<32768x256xf32, #tpu.memory_space<hbm>> -> memref<32x256xf32, #tpu.memory_space<hbm>>
    %dma_start3A_563 = arith.constant 0 : i32
    %dma_start3A_564 = tpu.memref_slice %arg4[%add3A_560, %dma_start3A_563] : memref<32768x256xf32, #tpu.memory_space<hbm>> -> memref<32x256xf32, #tpu.memory_space<hbm>>
    tpu.enqueue_dma source(%arg7 : memref<32x256xf32, #tpu.memory_space<vmem>>) target(%dma_start3A_564 : memref<32x256xf32, #tpu.memory_space<hbm>>) target_semaphore(%arg35 : memref<!tpu.dma_semaphore, #tpu.memory_space<semaphore_mem>>)
    %dma_wait3A_565 = arith.constant 960 : i32
    %dma_wait3A_566 = tpu.memref_slice %arg5[%dma_wait3A_565] : memref<1024xi32, #tpu.memory_space<vmem>> -> memref<32xi32, #tpu.memory_space<vmem>>
    %dma_wait3A_567 = arith.constant 0 : i32
    %dma_wait3A_568 = arith.constant 0 : i32
    %dma_wait3A_569 = tpu.memref_slice %arg2[%dma_wait3A_567, %dma_wait3A_568] : memref<50000x256xf32, #tpu.memory_space<hbm>> -> memref<50000x256xf32, #tpu.memory_space<hbm>>
    tpu.wait_indirect_dma semaphore(%arg22 : memref<!tpu.dma_semaphore, #tpu.memory_space<semaphore_mem>>) src(%dma_wait3A_569 : memref<50000x256xf32, #tpu.memory_space<hbm>>) dst(%arg8 : memref<32x256xf32, #tpu.memory_space<vmem>>)
    %add3A_570 = arith.constant 960 : i32
    %add3A_571 = arith.addi %mul3A_2, %add3A_570 : i32
    %dma_start3A_572 = arith.constant 0 : i32
    %dma_start3A_573 = tpu.memref_slice %arg4[%add3A_571, %dma_start3A_572] : memref<32768x256xf32, #tpu.memory_space<hbm>> -> memref<32x256xf32, #tpu.memory_space<hbm>>
    %dma_start3A_574 = arith.constant 0 : i32
    %dma_start3A_575 = tpu.memref_slice %arg4[%add3A_571, %dma_start3A_574] : memref<32768x256xf32, #tpu.memory_space<hbm>> -> memref<32x256xf32, #tpu.memory_space<hbm>>
    tpu.enqueue_dma source(%arg8 : memref<32x256xf32, #tpu.memory_space<vmem>>) target(%dma_start3A_575 : memref<32x256xf32, #tpu.memory_space<hbm>>) target_semaphore(%arg36 : memref<!tpu.dma_semaphore, #tpu.memory_space<semaphore_mem>>)
    %dma_wait3A_576 = arith.constant 992 : i32
    %dma_wait3A_577 = tpu.memref_slice %arg5[%dma_wait3A_576] : memref<1024xi32, #tpu.memory_space<vmem>> -> memref<32xi32, #tpu.memory_space<vmem>>
    %dma_wait3A_578 = arith.constant 0 : i32
    %dma_wait3A_579 = arith.constant 0 : i32
    %dma_wait3A_580 = tpu.memref_slice %arg2[%dma_wait3A_578, %dma_wait3A_579] : memref<50000x256xf32, #tpu.memory_space<hbm>> -> memref<50000x256xf32, #tpu.memory_space<hbm>>
    tpu.wait_indirect_dma semaphore(%arg23 : memref<!tpu.dma_semaphore, #tpu.memory_space<semaphore_mem>>) src(%dma_wait3A_580 : memref<50000x256xf32, #tpu.memory_space<hbm>>) dst(%arg9 : memref<32x256xf32, #tpu.memory_space<vmem>>)
    %add3A_581 = arith.constant 992 : i32
    %add3A_582 = arith.addi %mul3A_2, %add3A_581 : i32
    %dma_start3A_583 = arith.constant 0 : i32
    %dma_start3A_584 = tpu.memref_slice %arg4[%add3A_582, %dma_start3A_583] : memref<32768x256xf32, #tpu.memory_space<hbm>> -> memref<32x256xf32, #tpu.memory_space<hbm>>
    %dma_start3A_585 = arith.constant 0 : i32
    %dma_start3A_586 = tpu.memref_slice %arg4[%add3A_582, %dma_start3A_585] : memref<32768x256xf32, #tpu.memory_space<hbm>> -> memref<32x256xf32, #tpu.memory_space<hbm>>
    tpu.enqueue_dma source(%arg9 : memref<32x256xf32, #tpu.memory_space<vmem>>) target(%dma_start3A_586 : memref<32x256xf32, #tpu.memory_space<hbm>>) target_semaphore(%arg37 : memref<!tpu.dma_semaphore, #tpu.memory_space<semaphore_mem>>)
    %dma_wait3A_587 = arith.constant 0 : i32
    %dma_wait3A_588 = tpu.memref_slice %arg4[%add3A_421, %dma_wait3A_587] : memref<32768x256xf32, #tpu.memory_space<hbm>> -> memref<32x256xf32, #tpu.memory_space<hbm>>
    %dma_wait3A_589 = arith.constant 0 : i32
    %dma_wait3A_590 = tpu.memref_slice %arg4[%add3A_421, %dma_wait3A_589] : memref<32768x256xf32, #tpu.memory_space<hbm>> -> memref<32x256xf32, #tpu.memory_space<hbm>>
    tpu.wait_dma2 semaphore(%arg38 : memref<!tpu.dma_semaphore, #tpu.memory_space<semaphore_mem>>) src(%arg10 : memref<32x256xf32, #tpu.memory_space<vmem>>) dst(%dma_wait3A_590 : memref<32x256xf32, #tpu.memory_space<hbm>>)
    %dma_wait3A_591 = arith.constant 0 : i32
    %dma_wait3A_592 = tpu.memref_slice %arg4[%add3A_441, %dma_wait3A_591] : memref<32768x256xf32, #tpu.memory_space<hbm>> -> memref<32x256xf32, #tpu.memory_space<hbm>>
    %dma_wait3A_593 = arith.constant 0 : i32
    %dma_wait3A_594 = tpu.memref_slice %arg4[%add3A_441, %dma_wait3A_593] : memref<32768x256xf32, #tpu.memory_space<hbm>> -> memref<32x256xf32, #tpu.memory_space<hbm>>
    tpu.wait_dma2 semaphore(%arg39 : memref<!tpu.dma_semaphore, #tpu.memory_space<semaphore_mem>>) src(%arg11 : memref<32x256xf32, #tpu.memory_space<vmem>>) dst(%dma_wait3A_594 : memref<32x256xf32, #tpu.memory_space<hbm>>)
    %dma_wait3A_595 = arith.constant 0 : i32
    %dma_wait3A_596 = tpu.memref_slice %arg4[%add3A_461, %dma_wait3A_595] : memref<32768x256xf32, #tpu.memory_space<hbm>> -> memref<32x256xf32, #tpu.memory_space<hbm>>
    %dma_wait3A_597 = arith.constant 0 : i32
    %dma_wait3A_598 = tpu.memref_slice %arg4[%add3A_461, %dma_wait3A_597] : memref<32768x256xf32, #tpu.memory_space<hbm>> -> memref<32x256xf32, #tpu.memory_space<hbm>>
    tpu.wait_dma2 semaphore(%arg40 : memref<!tpu.dma_semaphore, #tpu.memory_space<semaphore_mem>>) src(%arg12 : memref<32x256xf32, #tpu.memory_space<vmem>>) dst(%dma_wait3A_598 : memref<32x256xf32, #tpu.memory_space<hbm>>)
    %dma_wait3A_599 = arith.constant 0 : i32
    %dma_wait3A_600 = tpu.memref_slice %arg4[%add3A_472, %dma_wait3A_599] : memref<32768x256xf32, #tpu.memory_space<hbm>> -> memref<32x256xf32, #tpu.memory_space<hbm>>
    %dma_wait3A_601 = arith.constant 0 : i32
    %dma_wait3A_602 = tpu.memref_slice %arg4[%add3A_472, %dma_wait3A_601] : memref<32768x256xf32, #tpu.memory_space<hbm>> -> memref<32x256xf32, #tpu.memory_space<hbm>>
    tpu.wait_dma2 semaphore(%arg41 : memref<!tpu.dma_semaphore, #tpu.memory_space<semaphore_mem>>) src(%arg13 : memref<32x256xf32, #tpu.memory_space<vmem>>) dst(%dma_wait3A_602 : memref<32x256xf32, #tpu.memory_space<hbm>>)
    %dma_wait3A_603 = arith.constant 0 : i32
    %dma_wait3A_604 = tpu.memref_slice %arg4[%add3A_483, %dma_wait3A_603] : memref<32768x256xf32, #tpu.memory_space<hbm>> -> memref<32x256xf32, #tpu.memory_space<hbm>>
    %dma_wait3A_605 = arith.constant 0 : i32
    %dma_wait3A_606 = tpu.memref_slice %arg4[%add3A_483, %dma_wait3A_605] : memref<32768x256xf32, #tpu.memory_space<hbm>> -> memref<32x256xf32, #tpu.memory_space<hbm>>
    tpu.wait_dma2 semaphore(%arg42 : memref<!tpu.dma_semaphore, #tpu.memory_space<semaphore_mem>>) src(%arg14 : memref<32x256xf32, #tpu.memory_space<vmem>>) dst(%dma_wait3A_606 : memref<32x256xf32, #tpu.memory_space<hbm>>)
    %dma_wait3A_607 = arith.constant 0 : i32
    %dma_wait3A_608 = tpu.memref_slice %arg4[%add3A_494, %dma_wait3A_607] : memref<32768x256xf32, #tpu.memory_space<hbm>> -> memref<32x256xf32, #tpu.memory_space<hbm>>
    %dma_wait3A_609 = arith.constant 0 : i32
    %dma_wait3A_610 = tpu.memref_slice %arg4[%add3A_494, %dma_wait3A_609] : memref<32768x256xf32, #tpu.memory_space<hbm>> -> memref<32x256xf32, #tpu.memory_space<hbm>>
    tpu.wait_dma2 semaphore(%arg43 : memref<!tpu.dma_semaphore, #tpu.memory_space<semaphore_mem>>) src(%arg15 : memref<32x256xf32, #tpu.memory_space<vmem>>) dst(%dma_wait3A_610 : memref<32x256xf32, #tpu.memory_space<hbm>>)
    %dma_wait3A_611 = arith.constant 0 : i32
    %dma_wait3A_612 = tpu.memref_slice %arg4[%add3A_505, %dma_wait3A_611] : memref<32768x256xf32, #tpu.memory_space<hbm>> -> memref<32x256xf32, #tpu.memory_space<hbm>>
    %dma_wait3A_613 = arith.constant 0 : i32
    %dma_wait3A_614 = tpu.memref_slice %arg4[%add3A_505, %dma_wait3A_613] : memref<32768x256xf32, #tpu.memory_space<hbm>> -> memref<32x256xf32, #tpu.memory_space<hbm>>
    tpu.wait_dma2 semaphore(%arg44 : memref<!tpu.dma_semaphore, #tpu.memory_space<semaphore_mem>>) src(%arg16 : memref<32x256xf32, #tpu.memory_space<vmem>>) dst(%dma_wait3A_614 : memref<32x256xf32, #tpu.memory_space<hbm>>)
    %dma_wait3A_615 = arith.constant 0 : i32
    %dma_wait3A_616 = tpu.memref_slice %arg4[%add3A_516, %dma_wait3A_615] : memref<32768x256xf32, #tpu.memory_space<hbm>> -> memref<32x256xf32, #tpu.memory_space<hbm>>
    %dma_wait3A_617 = arith.constant 0 : i32
    %dma_wait3A_618 = tpu.memref_slice %arg4[%add3A_516, %dma_wait3A_617] : memref<32768x256xf32, #tpu.memory_space<hbm>> -> memref<32x256xf32, #tpu.memory_space<hbm>>
    tpu.wait_dma2 semaphore(%arg45 : memref<!tpu.dma_semaphore, #tpu.memory_space<semaphore_mem>>) src(%arg17 : memref<32x256xf32, #tpu.memory_space<vmem>>) dst(%dma_wait3A_618 : memref<32x256xf32, #tpu.memory_space<hbm>>)
    %dma_wait3A_619 = arith.constant 0 : i32
    %dma_wait3A_620 = tpu.memref_slice %arg4[%add3A_527, %dma_wait3A_619] : memref<32768x256xf32, #tpu.memory_space<hbm>> -> memref<32x256xf32, #tpu.memory_space<hbm>>
    %dma_wait3A_621 = arith.constant 0 : i32
    %dma_wait3A_622 = tpu.memref_slice %arg4[%add3A_527, %dma_wait3A_621] : memref<32768x256xf32, #tpu.memory_space<hbm>> -> memref<32x256xf32, #tpu.memory_space<hbm>>
    tpu.wait_dma2 semaphore(%arg46 : memref<!tpu.dma_semaphore, #tpu.memory_space<semaphore_mem>>) src(%arg18 : memref<32x256xf32, #tpu.memory_space<vmem>>) dst(%dma_wait3A_622 : memref<32x256xf32, #tpu.memory_space<hbm>>)
    %dma_wait3A_623 = arith.constant 0 : i32
    %dma_wait3A_624 = tpu.memref_slice %arg4[%add3A_538, %dma_wait3A_623] : memref<32768x256xf32, #tpu.memory_space<hbm>> -> memref<32x256xf32, #tpu.memory_space<hbm>>
    %dma_wait3A_625 = arith.constant 0 : i32
    %dma_wait3A_626 = tpu.memref_slice %arg4[%add3A_538, %dma_wait3A_625] : memref<32768x256xf32, #tpu.memory_space<hbm>> -> memref<32x256xf32, #tpu.memory_space<hbm>>
    tpu.wait_dma2 semaphore(%arg47 : memref<!tpu.dma_semaphore, #tpu.memory_space<semaphore_mem>>) src(%arg19 : memref<32x256xf32, #tpu.memory_space<vmem>>) dst(%dma_wait3A_626 : memref<32x256xf32, #tpu.memory_space<hbm>>)
    %dma_wait3A_627 = arith.constant 0 : i32
    %dma_wait3A_628 = tpu.memref_slice %arg4[%add3A_549, %dma_wait3A_627] : memref<32768x256xf32, #tpu.memory_space<hbm>> -> memref<32x256xf32, #tpu.memory_space<hbm>>
    %dma_wait3A_629 = arith.constant 0 : i32
    %dma_wait3A_630 = tpu.memref_slice %arg4[%add3A_549, %dma_wait3A_629] : memref<32768x256xf32, #tpu.memory_space<hbm>> -> memref<32x256xf32, #tpu.memory_space<hbm>>
    tpu.wait_dma2 semaphore(%arg34 : memref<!tpu.dma_semaphore, #tpu.memory_space<semaphore_mem>>) src(%arg6 : memref<32x256xf32, #tpu.memory_space<vmem>>) dst(%dma_wait3A_630 : memref<32x256xf32, #tpu.memory_space<hbm>>)
    %dma_wait3A_631 = arith.constant 0 : i32
    %dma_wait3A_632 = tpu.memref_slice %arg4[%add3A_560, %dma_wait3A_631] : memref<32768x256xf32, #tpu.memory_space<hbm>> -> memref<32x256xf32, #tpu.memory_space<hbm>>
    %dma_wait3A_633 = arith.constant 0 : i32
    %dma_wait3A_634 = tpu.memref_slice %arg4[%add3A_560, %dma_wait3A_633] : memref<32768x256xf32, #tpu.memory_space<hbm>> -> memref<32x256xf32, #tpu.memory_space<hbm>>
    tpu.wait_dma2 semaphore(%arg35 : memref<!tpu.dma_semaphore, #tpu.memory_space<semaphore_mem>>) src(%arg7 : memref<32x256xf32, #tpu.memory_space<vmem>>) dst(%dma_wait3A_634 : memref<32x256xf32, #tpu.memory_space<hbm>>)
    %dma_wait3A_635 = arith.constant 0 : i32
    %dma_wait3A_636 = tpu.memref_slice %arg4[%add3A_571, %dma_wait3A_635] : memref<32768x256xf32, #tpu.memory_space<hbm>> -> memref<32x256xf32, #tpu.memory_space<hbm>>
    %dma_wait3A_637 = arith.constant 0 : i32
    %dma_wait3A_638 = tpu.memref_slice %arg4[%add3A_571, %dma_wait3A_637] : memref<32768x256xf32, #tpu.memory_space<hbm>> -> memref<32x256xf32, #tpu.memory_space<hbm>>
    tpu.wait_dma2 semaphore(%arg36 : memref<!tpu.dma_semaphore, #tpu.memory_space<semaphore_mem>>) src(%arg8 : memref<32x256xf32, #tpu.memory_space<vmem>>) dst(%dma_wait3A_638 : memref<32x256xf32, #tpu.memory_space<hbm>>)
    %dma_wait3A_639 = arith.constant 0 : i32
    %dma_wait3A_640 = tpu.memref_slice %arg4[%add3A_582, %dma_wait3A_639] : memref<32768x256xf32, #tpu.memory_space<hbm>> -> memref<32x256xf32, #tpu.memory_space<hbm>>
    %dma_wait3A_641 = arith.constant 0 : i32
    %dma_wait3A_642 = tpu.memref_slice %arg4[%add3A_582, %dma_wait3A_641] : memref<32768x256xf32, #tpu.memory_space<hbm>> -> memref<32x256xf32, #tpu.memory_space<hbm>>
    tpu.wait_dma2 semaphore(%arg37 : memref<!tpu.dma_semaphore, #tpu.memory_space<semaphore_mem>>) src(%arg9 : memref<32x256xf32, #tpu.memory_space<vmem>>) dst(%dma_wait3A_642 : memref<32x256xf32, #tpu.memory_space<hbm>>)
    return
  }
}

</mosaic_0001>

<sc_bundles>
// kernel: _pooled_gather.3.cloned.1.call-start
scs
__scs_entry_jumppad:
0x0: {  	(pc) =	sbr.rel $0x88, $3  }
0x1: {  	(tag) =	ssettag $0x0;
	lr =	simm.s32 $0x1  }
0x2: {  	[smem:$0x3F9F] =	sst lr;
	_ =	strace $0xD0000000  }
0x3: {  	_ = 	snop  }
0x4: {  	_ = 	snop  }
0x5: {  	_ = 	snop  }
0x6: {  	_ = 	snop  }
0x7: {  	_ = 	snop  }
__scs_overlays_trampoline_lowered:
0x8: {  	[smem:$0x3FAE] =	sst s0  }
0x9: {  	[smem:$0x3FAF] =	sst s1  }
0xa: {  	[smem:$0x3FB0] =	sst s2  }
0xb: {  	[smem:$0x3FB1] =	sst s3  }
0xc: {  	[smem:$0x3FB2] =	sst s4  }
0xd: {  	[smem:$0x3FB3] =	sst s5  }
0xe: {  	[smem:$0x3FB4] =	sst s6  }
0xf: {  	[smem:$0x3FB5] =	sst s7  }
0x10: {  	[smem:$0x3FB6] =	sst s8  }
0x11: {  	[smem:$0x3FB7] =	sst s9;
	s0 =	simm.s32 @!p0 $0x0  }
0x12: {  	s1 =	sld [smem:$0x3F9D];
	s0 =	simm.s32 @p0 $0x1  }
0x13: {  	[smem:$0x3FB8] =	sst s0;
	s0 =	simm.s32 @!p1 $0x0  }
0x14: {  	s2 =	sld [smem:$0x3F9C];
	s0 =	simm.s32 @p1 $0x1  }
0x15: {  	[smem:$0x3FB9] =	sst s0;
	s0 =	simm.s32 @!p2 $0x0  }
0x16: {  	s3 =	sld [smem:$0x3FDB];
	s0 =	simm.s32 @p2 $0x1  }
0x17: {  	s4 =	simm.s32 $0x1BF5;
	[smem:$0x3FBB] =	sst s0  }
0x18: {  	s0 =	sld [smem:$0x3F9E];
	_ =	swait.ge [sflag:s4], $0x0  }
0x19: {  	s7 =	sld [smem:$0x3F9F]  }
0x1a: {  	s8 =	sadd.s32 $0xFFFFE003, lr  }
0x1b: {  	s9 =	sadd.s32 $0xFFFFFEF7, lr;
	s5 =	simm.s32 $0xFFFFFFFF;
	p2 =	slt.u32 s8, $0xFFFFF086  }
0x1c: {  	p1 =	slt.u32 s9, $0xF7A;
	s5 =	simm.s32 @!p2 $0x0  }
0x1d: {  	s5 =	simm.s32 @p1 $0x1;
	p0 =	seq.s32 s7, s2  }
0x1e: {  	s7 =	smul.u32 @!p0 $0xF7A, s2;
	p2 =	seq.s32 @!p0 s5, $0x0  }
0x1f: {  	s9 =	smul.u32 $0xF7A, s1;
	s8 =	simm.s32 @!p0 $0x1BF5;
	p2 =	por !p2, p0  }
0x20: {  	[sflag:s8] =	ssyncset.s32 @!p0 $0xFFFFF086;
	s6 =	sadd.s32 @!p0 s3, s7;
	s7 =	simm.s32 @!p0 $0x108  }
0x21: {  	s3 =	sadd.s32 s3, s9;
	s6 =	sadd.s32 @!p0 $0x88, s6;
	s7 =	simm.s32 @p2 $0x1082  }
0x22: {  	[simem:s7], [sflag:s8] =	dma.local @!p0 [hbm:s6], $0xF7A  }
0x23: {  	s9 =	sor.u32 $0xD0000000, s2;
	s6 =	simm.s32 $0x108;
	_ =	swait.ge @!p0 [sflag:s8], $0x0  }
0x24: {  	s3 =	sadd.s32 $0x88, s3;
	s6 =	simm.s32 @!p1 $0x1082;
	[sflag:s4] =	ssyncset.s32 $0xFFFFF086  }
0x25: {  	[simem:s6], [sflag:s4] =	dma.local [hbm:s3], $0xF7A  }
0x26: {  	[smem:$0x3F9F] =	sst s1;
	(tag) =	ssettag s2;
	_ =	strace s9  }
0x27: {  	s1 =	sld [smem:$0x3FAF]  }
0x28: {  	s2 =	sld [smem:$0x3FB0]  }
0x29: {  	s4 =	sld [smem:$0x3FB2]  }
0x2a: {  	p0 =	seq.s32 s5, $0x0;
	s5 =	sld [smem:$0x3FB3]  }
0x2b: {  	s6 =	sld [smem:$0x3FB4]  }
0x2c: {  	s7 =	sld [smem:$0x3FB5]  }
0x2d: {  	s3 =	simm.s32 $0x108;
	s8 =	sld [smem:$0x3FB6]  }
0x2e: {  	s3 =	simm.s32 @!p0 $0x1082;
	s9 =	sld [smem:$0x3FB7]  }
0x2f: {  	lr =	sadd.s32 s0, s3;
	s0 =	sld [smem:$0x3FAE]  }
0x30: {  	s3 =	sld [smem:$0x3FB1]  }
0x31: {  	[smem:$0x3FBA] =	sst s10  }
0x32: {  	s10 =	sld [smem:$0x3FB8];
	_ =	sdelay $0x3  }
0x33: {  	p0 =	seq.s32 s10, $0x1;
	s10 =	sld [smem:$0x3FBA];
	_ =	sdelay $0x3  }
0x34: {  	[smem:$0x3FBA] =	sst s10  }
0x35: {  	s10 =	sld [smem:$0x3FB9];
	_ =	sdelay $0x3  }
0x36: {  	p1 =	seq.s32 s10, $0x1;
	s10 =	sld [smem:$0x3FBA];
	_ =	sdelay $0x3  }
0x37: {  	[smem:$0x3FBA] =	sst s10  }
0x38: {  	s10 =	sld [smem:$0x3FBB]  }
0x39: {  	_ = 	snop;
	(pc) =	sbr.ind lr, $3  }
0x3a: {  	_ = 	snop  }
0x3b: {  	_ = 	snop  }
0x3c: {  	p2 =	seq.s32 s10, $0x1;
	s10 =	sld [smem:$0x3FBA]  }
0x3d: {  	_ =	shalt  }
0x3e: {  	_ =	shalt  }
0x3f: {  	_ =	shalt  }
0x40: {  	_ =	shalt  }
0x41: {  	_ =	shalt  }
0x42: {  	_ =	shalt  }
0x43: {  	_ =	shalt  }
0x44: {  	_ =	shalt  }
0x45: {  	_ =	shalt  }
0x46: {  	_ =	shalt  }
0x47: {  	_ =	shalt  }
0x48: {  	_ =	shalt  }
0x49: {  	_ =	shalt  }
0x4a: {  	_ =	shalt  }
0x4b: {  	_ =	shalt  }
0x4c: {  	_ =	shalt  }
0x4d: {  	_ =	shalt  }
0x4e: {  	_ =	shalt  }
0x4f: {  	_ =	shalt  }
0x50: {  	_ =	shalt  }
0x51: {  	_ =	shalt  }
0x52: {  	_ =	shalt  }
0x53: {  	_ =	shalt  }
0x54: {  	_ =	shalt  }
0x55: {  	_ =	shalt  }
0x56: {  	_ =	shalt  }
0x57: {  	_ =	shalt  }
0x58: {  	_ =	shalt  }
0x59: {  	_ =	shalt  }
0x5a: {  	_ =	shalt  }
0x5b: {  	_ =	shalt  }
0x5c: {  	_ =	shalt  }
0x5d: {  	_ =	shalt  }
0x5e: {  	_ =	shalt  }
0x5f: {  	_ =	shalt  }
0x60: {  	_ =	shalt  }
0x61: {  	_ =	shalt  }
0x62: {  	_ =	shalt  }
0x63: {  	_ =	shalt  }
0x64: {  	_ =	shalt  }
0x65: {  	_ =	shalt  }
0x66: {  	_ =	shalt  }
0x67: {  	_ =	shalt  }
0x68: {  	_ =	shalt  }
0x69: {  	_ =	shalt  }
0x6a: {  	_ =	shalt  }
0x6b: {  	_ =	shalt  }
0x6c: {  	_ =	shalt  }
0x6d: {  	_ =	shalt  }
0x6e: {  	_ =	shalt  }
0x6f: {  	_ =	shalt  }
0x70: {  	_ =	shalt  }
0x71: {  	_ =	shalt  }
0x72: {  	_ =	shalt  }
0x73: {  	_ =	shalt  }
0x74: {  	_ =	shalt  }
0x75: {  	_ =	shalt  }
0x76: {  	_ =	shalt  }
0x77: {  	_ =	shalt  }
0x78: {  	_ =	shalt  }
0x79: {  	_ =	shalt  }
0x7a: {  	_ =	shalt  }
0x7b: {  	_ =	shalt  }
0x7c: {  	_ =	shalt  }
0x7d: {  	_ =	shalt  }
0x7e: {  	_ =	shalt  }
0x7f: {  	_ =	shalt  }
0x80: {  	_ =	shalt  }
0x81: {  	_ =	shalt  }
0x82: {  	_ =	shalt  }
0x83: {  	_ =	shalt  }
0x84: {  	_ =	shalt  }
0x85: {  	_ =	shalt  }
0x86: {  	_ =	shalt  }
0x87: {  	_ =	shalt  }
.Lfunc_end0:
.L_simem_size_0:
called_computation_lowered:
.L_overlay_start_0:
0x88: {  	s2 =	sld [smem:$0x3FD9]  }
0x89: {  	s3 =	sld [smem:$0x3FFE];
	_ =	sdelay $0x1  }
0x8a: {  	s1 =	srdreg.scid  }
0x8b: {  	s0 =	sand.u32 $0x1, s1  }
0x8c: {  	s18 =	sshll.u32 s0, $0xA;
	s2 =	sadd.s32 s3, s2  }
0x8d: {  	s2 =	sadd.s32 s2, s18  }
0x8e: {  	[smem:$0x3FC6] =	sst s2  }
0x8f: {  	_ = 	snop  }
0x90: {  	s2 =	sld [smem:$0x3FC9]  }
0x91: {  	s19 =	sld [smem:$0x3FC8]  }
0x92: {  	s4 =	sld [smem:$0x3FD0];
	(tm) =	ssettm $0x1  }
0x93: {  	s5 =	sld [smem:$0x3FFB];
	_ =	sdelay $0x3  }
0x94: {  	_ =	strace s5  }
0x95: {  	s5 =	sld [smem:$0x3FFC];
	_ =	sdelay $0x3  }
0x96: {  	_ =	strace s5  }
0x97: {  	s5 =	sld [smem:$0x3FFD];
	_ =	sdelay $0x3  }
0x98: {  	_ =	strace s5  }
0x99: {  	_ =	strace $0x8FFFFFFF  }
0x9a: {  	s20 =	sld [smem:$0x3FDB];
	_ =	sdelay $0x1  }
0x9b: {  	s6 =	simm.s32 $_scs_section_size  }
0x9c: {  	s7 =	simm.s32 $_size__tile_overlayer_lowered;
	s8 =	simm.s32 $_tile_overlayer_lowered  }
0x9d: {  	s23 =	simm.s32 $0x1BFF;
	s22 =	sshll.u32 s8, $0x1;
	s5 =	sadd.s32 s6, s20  }
0x9e: {  	s9 =	simm.s32 $0x0;
	s21 =	sshll.u32 s7, $0x1;
	s7 =	sadd.s32 s22, s5  }
0x9f: {  	[timem:s9], [sflag:s23] =	dma.local [hbm:s7], s21  }
0xa0: {  	_ =	swait.ge [sflag:s23], s21  }
0xa1: {  	s6 =	ssub.s32 $0x0, s21;
	[sflag:s23] =	ssyncset.done $0x0  }
0xa2: {  	[sflag:s23] =	ssyncadd.s32 s6;
	_ =	sdelay $0x1  }
0xa3: {  	s24 =	simm.s32 $0x1B8B  }
0xa4: {  	_ =	swait.ge [sflag:s24], $0x1  }
0xa5: {  	[sflag:s24] =	ssyncset.done $0x0  }
0xa6: {  	s25 =	simm.s32 $0x1B8E;
	[sflag:s24] =	ssyncadd.s32 $0xFFFFFFFF  }
0xa7: {  	s26 =	simm.s32 $execute0_lowered;
	[smem:$0x3FD2] =	sst s25  }
0xa8: {  	s6 =	sshll.u32 s26, $0x1;
	_ =	strace $0x80000046;
	[dreg:$0x1] =	wrdreg $0xFFFFFFFF  }
0xa9: {  	s28 =	simm.s32 $_size_execute0_lowered;
	s5 =	sadd.s32 s5, s6;
	[dreg:$0x0] =	wrdreg $0x0  }
0xaa: {  	s6 =	sshll.u32 s28, $0x1;
	[dreg:$0x2] =	wrdreg s5  }
0xab: {  	[dreg:$0x3] =	wrdreg s6  }
0xac: {  	[dreg:$0x4] =	wrdreg $0xC0  }
0xad: {  	_ =	task [dreg:s9], $0x5FFFF  }
0xae: {  	[dreg:$0x1] =	wrdreg $0xFFFFFFFF  }
0xaf: {  	[dreg:$0x0] =	wrdreg $0x60  }
0xb0: {  	[dreg:$0x2] =	wrdreg s2  }
0xb1: {  	[dreg:$0x3] =	wrdreg s19  }
0xb2: {  	[dreg:$0x4] =	wrdreg s4  }
0xb3: {  	[dreg:$0x5] =	wrdreg $0x9  }
0xb4: {  	_ =	task.clear_ibuf [dreg:s9], $0x6FFFF;
	_ =	strace $0x90000046  }
0xb5: {  	s29 =	simm.s32 $0x9;
	_ =	strace $0x80000048  }
0xb6: {  	_ =	swait.ge [sflag:s29], $0x1  }
0xb7: {  	[sflag:s29] =	ssyncadd.s32 $0xFFFFFFFF  }
0xb8: {  	_ =	strace $0x90000048  }
0xb9: {  	_ =	sfence  }
0xba: {  	s30 =	sld [smem:$0x0];
	_ =	sdelay $0x2  }
0xbb: {  	s31 =	sshll.u32 s1, $0xD;
	s1 =	sshrl.u32 s1, $0x2  }
0xbc: {  	s3 =	sand.u32 $0x4000, s31;
	s1 =	sadd.s32 s1, s30  }
0xbd: {  	s0 =	sor.u32 s3, s0;
	s1 =	sshll.u32 s1, $0x11  }
0xbe: {  	s0 =	sor.u32 s1, s0  }
0xbf: {  	s0 =	sadd.s32 $0x8F2B, s0  }
0xc0: {  	[sflag:s0] =	ssyncadd.remote.s32 $0x1  }
0xc1: {  	_ =	sfence.sel $0xFFFF  }
0xc2: {  	[dreg:$0x0] =	wrdreg $0xFFFFFFFF;
	(pc) =	sbr.abs _section_cstart, $3  }
0xc3: {  	[dreg:$0x1] =	wrdreg $0xFFFFFFFF  }
0xc4: {  	_ =	task.clear_ibuf [dreg:s9], $0x2FFFF;
	_ =	strace $0x9FFFFFFF  }
0xc5: {  	(tm) =	ssettm $0x7FFFFFFF  }
tec
execute0_lowered:
.L_overlay_start_1:
0x0: {  	(tag) =	ssettag $0x1  }
0x1: {  	s0 =	srdreg.scid  }
0x2: {  	s1 =	rddreg [dreg:$0x0];
	s5 =	stileid.u32;
	s0 =	sand.u32 $0x1, s0  }
0x3: {  	s2 =	rddreg [dreg:$0x1];
	s5 =	sshll.u32 s5, $0xB;
	s6 =	sshll.u32 s0, $0xA  }
0x4: {  	s4 =	rddreg [dreg:$0x2];
	s3 =	simm.s32 $0x0;
	s5 =	sor.u32 s6, s5  }
0x5: {  	[smem:$0x7FF] =	sst s3;
	s6 =	sshrl.u32 s5, $0x3;
	s7 =	sor.u32 $0x180, s5  }
0x6: {  	_ =	strace $0x80000047;
	s6 =	sadd.s32 s2, s6;
	s8 =	sshrl.u32 s7, $0x3  }
0x7: {  	s5 =	sshll.u32 s5, $0x5;
	[dreg:$0x4] =	wrdreg s6;
	s2 =	sadd.s32 s2, s8  }
0x8: {  	s6 =	sadd.s32 s4, s5;
	[dreg:$0x5] =	wrdreg s2  }
0x9: {  	s21 =	sadd.s32 $0x400, s6;
	[smem:$0x7FB] =	sst s6  }
0xa: {  	s22 =	sadd.s32 $0x800, s6;
	[dreg:$0x6] =	wrdreg s21  }
0xb: {  	s23 =	sadd.s32 $0xC00, s6;
	[dreg:$0x7] =	wrdreg s22  }
0xc: {  	s24 =	sadd.s32 $0x1000, s6;
	[dreg:$0x8] =	wrdreg s23  }
0xd: {  	s25 =	sadd.s32 $0x1400, s6;
	[dreg:$0x9] =	wrdreg s24  }
0xe: {  	s26 =	sadd.s32 $0x1800, s6;
	[dreg:$0xa] =	wrdreg s25  }
0xf: {  	s28 =	sadd.s32 $0x1C00, s6;
	[dreg:$0xb] =	wrdreg s26  }
0x10: {  	s29 =	sadd.s32 $0x2000, s6;
	[dreg:$0xc] =	wrdreg s28  }
0x11: {  	s30 =	sadd.s32 $0x2400, s6;
	[dreg:$0xd] =	wrdreg s29  }
0x12: {  	s31 =	sadd.s32 $0x2800, s6;
	[dreg:$0xe] =	wrdreg s30  }
0x13: {  	s8 =	sshll.u32 s7, $0x5;
	s5 =	sadd.s32 $0x2C00, s6;
	[dreg:$0xf] =	wrdreg s31  }
0x14: {  	s9 =	sadd.s32 s4, s8;
	[dreg:$0x10] =	wrdreg s5  }
0x15: {  	s10 =	sadd.s32 $0x3400, s6;
	[dreg:$0x11] =	wrdreg s9  }
0x16: {  	s11 =	sadd.s32 $0x3800, s6;
	[dreg:$0x12] =	wrdreg s10  }
0x17: {  	s12 =	sadd.s32 $0x3C00, s6;
	[dreg:$0x13] =	wrdreg s11  }
0x18: {  	s13 =	sadd.s32 $0x4000, s6;
	[dreg:$0x14] =	wrdreg s12  }
0x19: {  	s14 =	sadd.s32 $0x4400, s6;
	[dreg:$0x15] =	wrdreg s13  }
0x1a: {  	s15 =	sadd.s32 $0x4800, s6;
	[dreg:$0x16] =	wrdreg s14  }
0x1b: {  	s16 =	sadd.s32 $0x4C00, s6;
	[dreg:$0x17] =	wrdreg s15  }
0x1c: {  	s17 =	sadd.s32 $0x5000, s6;
	[dreg:$0x18] =	wrdreg s16  }
0x1d: {  	s18 =	sadd.s32 $0x5400, s6;
	[dreg:$0x19] =	wrdreg s17  }
0x1e: {  	s19 =	sadd.s32 $0x5800, s6;
	[dreg:$0x1a] =	wrdreg s18  }
0x1f: {  	s20 =	sadd.s32 $0x5C00, s6;
	[dreg:$0x1b] =	wrdreg s19  }
0x20: {  	[dreg:$0x1c] =	wrdreg s20;
	s21 =	sadd.s32 $0x6000, s6  }
0x21: {  	s22 =	sadd.s32 $0x6400, s6;
	[dreg:$0x1d] =	wrdreg s21  }
0x22: {  	s23 =	sadd.s32 $0x6800, s6;
	[dreg:$0x1e] =	wrdreg s22  }
0x23: {  	s24 =	sadd.s32 $0x6C00, s6;
	[dreg:$0x1f] =	wrdreg s23  }
0x24: {  	s25 =	sadd.s32 $0x7000, s6;
	[smem:$0x7F7] =	sst s24  }
0x25: {  	s26 =	sadd.s32 $0x7400, s6;
	[smem:$0x7F8] =	sst s25  }
0x26: {  	s29 =	sadd.s32 $0x7800, s6;
	[smem:$0x7F9] =	sst s26  }
0x27: {  	s0 =	ssub.s32 $0x2, s0;
	s30 =	sadd.s32 $0x7C00, s6;
	[smem:$0x7FA] =	sst s29  }
0x28: {  	v2 =	vlaneseq.u32;
	s28 =	sshrl.u32 s0, $0x1;
	s31 =	simm.s32 $0x180;
	[smem:$0x7FC] =	sst s30  }
0x29: {  	vm0 =	vmmov $0xffff;
	v1 =	vshrl.u32 v2, $0x3;
	s10 =	simm.s32 $0x12;
	s0 =	ssub.s32 s0, s28;
	[smem:$0x7FD] =	sst s31  }
0x2a: {  	v0 =	vand.u32 $0x7, v2;
	v2 =	vor.u32 $0x8, v2;
	v1 =	vmul.u32 $0x8, v1;
	s24 =	simm.s32 $0x2;
	s26 =	simm.s32 $0x6;
	s2 =	smax.u32 s0, $0x1  }
.LBB2_1:
0x2b: {  	[smem:$0x7F6] =	sst s2  }
0x2c: {  	s16 =	rddreg [dreg:$0x4];
	s21 =	simm.s32 $0x1D  }
0x2d: {  	[tilespmem:s3], [sflag:$0x1D] =	stream.linear.gather [hbm4b:s16+s3], $0x180, $0x38;
	[tilespmem:$0x1C400] =	vst v63  }
0x2e: {  	_ =	swait.ge [sflag:s21], $0x180  }
0x2f: {  	[sflag:s21] =	ssyncset.done $0x0  }
0x30: {  	[sflag:s21] =	ssyncadd.s32 $0xFFFFFE80  }
0x31: {  	v3 =	vld [tilespmem:$0x0];
	_ =	sdelay $0x4  }
0x32: {  	v4 =	vshll.u32 v3, $0x1  }
0x33: {  	v3 =	vand.u32 $0x7, v3;
	v4 =	vand.u32 $0xFFFFFFF0, v4  }
0x34: {  	v3 =	vor.u32 v3, v4  }
0x35: {  	v4 =	vperm.xlane v3, v0;
	_ =	sdelay $0x1  }
0x36: {  	v3 =	vperm.xlane v3, v2;
	v4 =	vadd.s32 v1, v4;
	_ =	sdelay $0x1  }
0x37: {  	v3 =	vadd.s32 v1, v3;
	_ =	sdelay $0x1  }
0x38: {  	s0 =	simm.s32 $0x400  }
0x39: {  	[tilespmem:s0], [sflag:$0x1] =	stream.indirect_vreg.gather [hbm4b:s1+s3], $0x80, v4, vm0, $0xb8;
	[tilespmem:$0x1C400] =	vst v63  }
0x3a: {  	s23 =	simm.s32 $0xC00  }
0x3b: {  	[tilespmem:s23], [sflag:$0x1] =	stream.indirect_vreg.gather [hbm4b:s1+s3], $0x80, v3, vm0, $0xb8;
	[tilespmem:$0x1C400] =	vst v63  }
0x3c: {  	v3 =	vld [tilespmem:$0x10];
	_ =	sdelay $0x4  }
0x3d: {  	v57 =	vshll.u32 v3, $0x1  }
0x3e: {  	v3 =	vand.u32 $0x7, v3;
	v4 =	vand.u32 $0xFFFFFFF0, v57  }
0x3f: {  	v3 =	vor.u32 v3, v4  }
0x40: {  	v4 =	vperm.xlane v3, v0;
	_ =	sdelay $0x1  }
0x41: {  	v3 =	vperm.xlane v3, v2;
	v4 =	vadd.s32 v1, v4;
	_ =	sdelay $0x1  }
0x42: {  	v3 =	vadd.s32 v1, v3;
	_ =	sdelay $0x1  }
0x43: {  	s25 =	simm.s32 $0x1400  }
0x44: {  	[tilespmem:s25], [sflag:$0x1] =	stream.indirect_vreg.gather [hbm4b:s1+s3], $0x80, v4, vm0, $0xb8;
	[tilespmem:$0x1C400] =	vst v63  }
0x45: {  	s28 =	simm.s32 $0x1C00  }
0x46: {  	[tilespmem:s28], [sflag:$0x1] =	stream.indirect_vreg.gather [hbm4b:s1+s3], $0x80, v3, vm0, $0xb8;
	[tilespmem:$0x1C400] =	vst v63  }
0x47: {  	v3 =	vld [tilespmem:$0x20];
	_ =	sdelay $0x4  }
0x48: {  	v58 =	vshll.u32 v3, $0x1  }
0x49: {  	v3 =	vand.u32 $0x7, v3;
	v4 =	vand.u32 $0xFFFFFFF0, v58  }
0x4a: {  	v3 =	vor.u32 v3, v4  }
0x4b: {  	v4 =	vperm.xlane v3, v0;
	_ =	sdelay $0x1  }
0x4c: {  	v3 =	vperm.xlane v3, v2;
	v4 =	vadd.s32 v1, v4;
	_ =	sdelay $0x1  }
0x4d: {  	v3 =	vadd.s32 v1, v3;
	_ =	sdelay $0x1  }
0x4e: {  	s29 =	simm.s32 $0x2400  }
0x4f: {  	[tilespmem:s29], [sflag:$0x2] =	stream.indirect_vreg.gather [hbm4b:s1+s3], $0x80, v4, vm0, $0xb8;
	[tilespmem:$0x1C400] =	vst v63  }
0x50: {  	s30 =	simm.s32 $0x2C00  }
0x51: {  	[tilespmem:s30], [sflag:$0x2] =	stream.indirect_vreg.gather [hbm4b:s1+s3], $0x80, v3, vm0, $0xb8;
	[tilespmem:$0x1C400] =	vst v63  }
0x52: {  	v3 =	vld [tilespmem:$0x30];
	_ =	sdelay $0x4  }
0x53: {  	v59 =	vshll.u32 v3, $0x1  }
0x54: {  	v3 =	vand.u32 $0x7, v3;
	v4 =	vand.u32 $0xFFFFFFF0, v59  }
0x55: {  	v3 =	vor.u32 v3, v4  }
0x56: {  	v4 =	vperm.xlane v3, v0;
	_ =	sdelay $0x1  }
0x57: {  	v3 =	vperm.xlane v3, v2;
	v4 =	vadd.s32 v1, v4;
	_ =	sdelay $0x1  }
0x58: {  	v3 =	vadd.s32 v1, v3;
	_ =	sdelay $0x1  }
0x59: {  	s31 =	simm.s32 $0x3400  }
0x5a: {  	[tilespmem:s31], [sflag:$0x2] =	stream.indirect_vreg.gather [hbm4b:s1+s3], $0x80, v4, vm0, $0xb8;
	[tilespmem:$0x1C400] =	vst v63  }
0x5b: {  	s2 =	simm.s32 $0x3C00  }
0x5c: {  	[tilespmem:s2], [sflag:$0x2] =	stream.indirect_vreg.gather [hbm4b:s1+s3], $0x80, v3, vm0, $0xb8;
	[tilespmem:$0x1C400] =	vst v63  }
0x5d: {  	v3 =	vld [tilespmem:$0x40];
	_ =	sdelay $0x4  }
0x5e: {  	v60 =	vshll.u32 v3, $0x1  }
0x5f: {  	v3 =	vand.u32 $0x7, v3;
	v4 =	vand.u32 $0xFFFFFFF0, v60  }
0x60: {  	v3 =	vor.u32 v3, v4  }
0x61: {  	v4 =	vperm.xlane v3, v0;
	_ =	sdelay $0x1  }
0x62: {  	v3 =	vperm.xlane v3, v2;
	v4 =	vadd.s32 v1, v4;
	_ =	sdelay $0x1  }
0x63: {  	v3 =	vadd.s32 v1, v3;
	_ =	sdelay $0x1  }
0x64: {  	s4 =	simm.s32 $0x4400  }
0x65: {  	[tilespmem:s4], [sflag:$0x3] =	stream.indirect_vreg.gather [hbm4b:s1+s3], $0x80, v4, vm0, $0xb8;
	[tilespmem:$0x1C400] =	vst v63  }
0x66: {  	s5 =	simm.s32 $0x4C00  }
0x67: {  	[tilespmem:s5], [sflag:$0x3] =	stream.indirect_vreg.gather [hbm4b:s1+s3], $0x80, v3, vm0, $0xb8;
	[tilespmem:$0x1C400] =	vst v63  }
0x68: {  	v3 =	vld [tilespmem:$0x50];
	_ =	sdelay $0x4  }
0x69: {  	v61 =	vshll.u32 v3, $0x1  }
0x6a: {  	v3 =	vand.u32 $0x7, v3;
	v4 =	vand.u32 $0xFFFFFFF0, v61  }
0x6b: {  	v3 =	vor.u32 v3, v4  }
0x6c: {  	v4 =	vperm.xlane v3, v0;
	_ =	sdelay $0x1  }
0x6d: {  	v3 =	vperm.xlane v3, v2;
	v4 =	vadd.s32 v1, v4;
	_ =	sdelay $0x1  }
0x6e: {  	v3 =	vadd.s32 v1, v3;
	_ =	sdelay $0x1  }
0x6f: {  	s6 =	simm.s32 $0x5400  }
0x70: {  	[tilespmem:s6], [sflag:$0x3] =	stream.indirect_vreg.gather [hbm4b:s1+s3], $0x80, v4, vm0, $0xb8;
	[tilespmem:$0x1C400] =	vst v63  }
0x71: {  	s7 =	simm.s32 $0x5C00  }
0x72: {  	[tilespmem:s7], [sflag:$0x3] =	stream.indirect_vreg.gather [hbm4b:s1+s3], $0x80, v3, vm0, $0xb8;
	[tilespmem:$0x1C400] =	vst v63  }
0x73: {  	v3 =	vld [tilespmem:$0x60];
	_ =	sdelay $0x4  }
0x74: {  	v62 =	vshll.u32 v3, $0x1  }
0x75: {  	v3 =	vand.u32 $0x7, v3;
	v4 =	vand.u32 $0xFFFFFFF0, v62  }
0x76: {  	v3 =	vor.u32 v3, v4  }
0x77: {  	v4 =	vperm.xlane v3, v0;
	_ =	sdelay $0x1  }
0x78: {  	v3 =	vperm.xlane v3, v2;
	v4 =	vadd.s32 v1, v4;
	_ =	sdelay $0x1  }
0x79: {  	v3 =	vadd.s32 v1, v3;
	_ =	sdelay $0x1  }
0x7a: {  	s9 =	simm.s32 $0x6400  }
0x7b: {  	[tilespmem:s9], [sflag:$0x4] =	stream.indirect_vreg.gather [hbm4b:s1+s3], $0x80, v4, vm0, $0xb8;
	[tilespmem:$0x1C400] =	vst v63  }
0x7c: {  	s11 =	simm.s32 $0x6C00  }
0x7d: {  	[tilespmem:s11], [sflag:$0x4] =	stream.indirect_vreg.gather [hbm4b:s1+s3], $0x80, v3, vm0, $0xb8;
	[tilespmem:$0x1C400] =	vst v63  }
0x7e: {  	v3 =	vld [tilespmem:$0x70];
	_ =	sdelay $0x4  }
0x7f: {  	v63 =	vshll.u32 v3, $0x1  }
0x80: {  	v3 =	vand.u32 $0x7, v3;
	v4 =	vand.u32 $0xFFFFFFF0, v63  }
0x81: {  	v3 =	vor.u32 v3, v4  }
0x82: {  	v4 =	vperm.xlane v3, v0;
	_ =	sdelay $0x1  }
0x83: {  	v3 =	vperm.xlane v3, v2;
	v4 =	vadd.s32 v1, v4;
	_ =	sdelay $0x1  }
0x84: {  	v3 =	vadd.s32 v1, v3;
	_ =	sdelay $0x1  }
0x85: {  	s13 =	simm.s32 $0x7400  }
0x86: {  	[tilespmem:s13], [sflag:$0x4] =	stream.indirect_vreg.gather [hbm4b:s1+s3], $0x80, v4, vm0, $0xb8;
	[tilespmem:$0x1C400] =	vst v63  }
0x87: {  	s16 =	simm.s32 $0x7C00  }
0x88: {  	[tilespmem:s16], [sflag:$0x4] =	stream.indirect_vreg.gather [hbm4b:s1+s3], $0x80, v3, vm0, $0xb8;
	[tilespmem:$0x1C400] =	vst v63  }
0x89: {  	v3 =	vld [tilespmem:$0x80];
	_ =	sdelay $0x4  }
0x8a: {  	v8 =	vshll.u32 v3, $0x1  }
0x8b: {  	v3 =	vand.u32 $0x7, v3;
	v4 =	vand.u32 $0xFFFFFFF0, v8  }
0x8c: {  	v3 =	vor.u32 v3, v4  }
0x8d: {  	v4 =	vperm.xlane v3, v0;
	_ =	sdelay $0x1  }
0x8e: {  	v3 =	vperm.xlane v3, v2;
	v4 =	vadd.s32 v1, v4;
	_ =	sdelay $0x1  }
0x8f: {  	v3 =	vadd.s32 v1, v3;
	_ =	sdelay $0x1  }
0x90: {  	s17 =	simm.s32 $0x8400  }
0x91: {  	[tilespmem:s17], [sflag:$0x5] =	stream.indirect_vreg.gather [hbm4b:s1+s3], $0x80, v4, vm0, $0xb8;
	[tilespmem:$0x1C400] =	vst v63  }
0x92: {  	s28 =	simm.s32 $0x8C00  }
0x93: {  	[tilespmem:s28], [sflag:$0x5] =	stream.indirect_vreg.gather [hbm4b:s1+s3], $0x80, v3, vm0, $0xb8;
	[tilespmem:$0x1C400] =	vst v63  }
0x94: {  	v3 =	vld [tilespmem:$0x90];
	_ =	sdelay $0x4  }
0x95: {  	v9 =	vshll.u32 v3, $0x1  }
0x96: {  	v3 =	vand.u32 $0x7, v3;
	v4 =	vand.u32 $0xFFFFFFF0, v9  }
0x97: {  	v3 =	vor.u32 v3, v4  }
0x98: {  	v4 =	vperm.xlane v3, v0;
	_ =	sdelay $0x1  }
0x99: {  	v3 =	vperm.xlane v3, v2;
	v4 =	vadd.s32 v1, v4;
	_ =	sdelay $0x1  }
0x9a: {  	v3 =	vadd.s32 v1, v3;
	_ =	sdelay $0x1  }
0x9b: {  	s13 =	simm.s32 $0x9400  }
0x9c: {  	[tilespmem:s13], [sflag:$0x5] =	stream.indirect_vreg.gather [hbm4b:s1+s3], $0x80, v4, vm0, $0xb8;
	[tilespmem:$0x1C400] =	vst v63  }
0x9d: {  	s30 =	simm.s32 $0x9C00  }
0x9e: {  	[tilespmem:s30], [sflag:$0x5] =	stream.indirect_vreg.gather [hbm4b:s1+s3], $0x80, v3, vm0, $0xb8;
	[tilespmem:$0x1C400] =	vst v63  }
0x9f: {  	v3 =	vld [tilespmem:$0xA0];
	_ =	sdelay $0x4  }
0xa0: {  	v10 =	vshll.u32 v3, $0x1  }
0xa1: {  	v3 =	vand.u32 $0x7, v3;
	v4 =	vand.u32 $0xFFFFFFF0, v10  }
0xa2: {  	v3 =	vor.u32 v3, v4  }
0xa3: {  	v4 =	vperm.xlane v3, v0;
	_ =	sdelay $0x1  }
0xa4: {  	v3 =	vperm.xlane v3, v2;
	v4 =	vadd.s32 v1, v4;
	_ =	sdelay $0x1  }
0xa5: {  	v3 =	vadd.s32 v1, v3;
	_ =	sdelay $0x1  }
0xa6: {  	s18 =	simm.s32 $0xA400  }
0xa7: {  	[tilespmem:s18], [sflag:$0x6] =	stream.indirect_vreg.gather [hbm4b:s1+s3], $0x80, v4, vm0, $0xb8;
	[tilespmem:$0x1C400] =	vst v63  }
0xa8: {  	s31 =	simm.s32 $0xAC00  }
0xa9: {  	[tilespmem:s31], [sflag:$0x6] =	stream.indirect_vreg.gather [hbm4b:s1+s3], $0x80, v3, vm0, $0xb8;
	[tilespmem:$0x1C400] =	vst v63  }
0xaa: {  	v3 =	vld [tilespmem:$0xB0];
	_ =	sdelay $0x4  }
0xab: {  	v11 =	vshll.u32 v3, $0x1  }
0xac: {  	v3 =	vand.u32 $0x7, v3;
	v4 =	vand.u32 $0xFFFFFFF0, v11  }
0xad: {  	v3 =	vor.u32 v3, v4  }
0xae: {  	v4 =	vperm.xlane v3, v0;
	_ =	sdelay $0x1  }
0xaf: {  	v3 =	vperm.xlane v3, v2;
	v4 =	vadd.s32 v1, v4;
	_ =	sdelay $0x1  }
0xb0: {  	v3 =	vadd.s32 v1, v3;
	_ =	sdelay $0x1  }
0xb1: {  	s17 =	simm.s32 $0xB400  }
0xb2: {  	[tilespmem:s17], [sflag:$0x6] =	stream.indirect_vreg.gather [hbm4b:s1+s3], $0x80, v4, vm0, $0xb8;
	[tilespmem:$0x1C400] =	vst v63  }
0xb3: {  	s11 =	simm.s32 $0xBC00  }
0xb4: {  	[tilespmem:s11], [sflag:$0x6] =	stream.indirect_vreg.gather [hbm4b:s1+s3], $0x80, v3, vm0, $0xb8;
	[tilespmem:$0x1C400] =	vst v63  }
0xb5: {  	v3 =	vld [tilespmem:$0xC0];
	_ =	sdelay $0x4  }
0xb6: {  	v12 =	vshll.u32 v3, $0x1  }
0xb7: {  	v3 =	vand.u32 $0x7, v3;
	v4 =	vand.u32 $0xFFFFFFF0, v12  }
0xb8: {  	v3 =	vor.u32 v3, v4  }
0xb9: {  	v4 =	vperm.xlane v3, v0;
	_ =	sdelay $0x1  }
0xba: {  	v3 =	vperm.xlane v3, v2;
	v4 =	vadd.s32 v1, v4;
	_ =	sdelay $0x1  }
0xbb: {  	v3 =	vadd.s32 v1, v3;
	_ =	sdelay $0x1  }
0xbc: {  	s29 =	simm.s32 $0xC400  }
0xbd: {  	[tilespmem:s29], [sflag:$0x7] =	stream.indirect_vreg.gather [hbm4b:s1+s3], $0x80, v4, vm0, $0xb8;
	[tilespmem:$0x1C400] =	vst v63  }
0xbe: {  	s2 =	simm.s32 $0xCC00  }
0xbf: {  	[tilespmem:s2], [sflag:$0x7] =	stream.indirect_vreg.gather [hbm4b:s1+s3], $0x80, v3, vm0, $0xb8;
	[tilespmem:$0x1C400] =	vst v63  }
0xc0: {  	v3 =	vld [tilespmem:$0xD0];
	_ =	sdelay $0x4  }
0xc1: {  	v13 =	vshll.u32 v3, $0x1  }
0xc2: {  	v3 =	vand.u32 $0x7, v3;
	v4 =	vand.u32 $0xFFFFFFF0, v13  }
0xc3: {  	v3 =	vor.u32 v3, v4  }
0xc4: {  	v4 =	vperm.xlane v3, v0;
	_ =	sdelay $0x1  }
0xc5: {  	v3 =	vperm.xlane v3, v2;
	v4 =	vadd.s32 v1, v4;
	_ =	sdelay $0x1  }
0xc6: {  	v3 =	vadd.s32 v1, v3;
	_ =	sdelay $0x1  }
0xc7: {  	s29 =	simm.s32 $0xD400  }
0xc8: {  	[tilespmem:s29], [sflag:$0x7] =	stream.indirect_vreg.gather [hbm4b:s1+s3], $0x80, v4, vm0, $0xb8;
	[tilespmem:$0x1C400] =	vst v63  }
0xc9: {  	s4 =	simm.s32 $0xDC00  }
0xca: {  	[tilespmem:s4], [sflag:$0x7] =	stream.indirect_vreg.gather [hbm4b:s1+s3], $0x80, v3, vm0, $0xb8;
	[tilespmem:$0x1C400] =	vst v63  }
0xcb: {  	v3 =	vld [tilespmem:$0xE0];
	_ =	sdelay $0x4  }
0xcc: {  	v14 =	vshll.u32 v3, $0x1  }
0xcd: {  	v3 =	vand.u32 $0x7, v3;
	v4 =	vand.u32 $0xFFFFFFF0, v14  }
0xce: {  	v3 =	vor.u32 v3, v4  }
0xcf: {  	v4 =	vperm.xlane v3, v0;
	_ =	sdelay $0x1  }
0xd0: {  	v3 =	vperm.xlane v3, v2;
	v4 =	vadd.s32 v1, v4;
	_ =	sdelay $0x1  }
0xd1: {  	v3 =	vadd.s32 v1, v3;
	_ =	sdelay $0x1  }
0xd2: {  	s9 =	simm.s32 $0xE400  }
0xd3: {  	[tilespmem:s9], [sflag:$0x8] =	stream.indirect_vreg.gather [hbm4b:s1+s3], $0x80, v4, vm0, $0xb8;
	[tilespmem:$0x1C400] =	vst v63  }
0xd4: {  	s16 =	simm.s32 $0xEC00  }
0xd5: {  	[tilespmem:s16], [sflag:$0x8] =	stream.indirect_vreg.gather [hbm4b:s1+s3], $0x80, v3, vm0, $0xb8;
	[tilespmem:$0x1C400] =	vst v63  }
0xd6: {  	v3 =	vld [tilespmem:$0xF0];
	_ =	sdelay $0x4  }
0xd7: {  	v15 =	vshll.u32 v3, $0x1  }
0xd8: {  	v3 =	vand.u32 $0x7, v3;
	v4 =	vand.u32 $0xFFFFFFF0, v15  }
0xd9: {  	v3 =	vor.u32 v3, v4  }
0xda: {  	v4 =	vperm.xlane v3, v0;
	_ =	sdelay $0x1  }
0xdb: {  	v3 =	vperm.xlane v3, v2;
	v4 =	vadd.s32 v1, v4;
	_ =	sdelay $0x1  }
0xdc: {  	v3 =	vadd.s32 v1, v3;
	_ =	sdelay $0x1  }
0xdd: {  	s18 =	simm.s32 $0xF400  }
0xde: {  	[tilespmem:s18], [sflag:$0x8] =	stream.indirect_vreg.gather [hbm4b:s1+s3], $0x80, v4, vm0, $0xb8;
	[tilespmem:$0x1C400] =	vst v63  }
0xdf: {  	s2 =	simm.s32 $0xFC00  }
0xe0: {  	[tilespmem:s2], [sflag:$0x8] =	stream.indirect_vreg.gather [hbm4b:s1+s3], $0x80, v3, vm0, $0xb8;
	[tilespmem:$0x1C400] =	vst v63  }
0xe1: {  	v3 =	vld [tilespmem:$0x100];
	_ =	sdelay $0x4  }
0xe2: {  	v16 =	vshll.u32 v3, $0x1  }
0xe3: {  	v3 =	vand.u32 $0x7, v3;
	v4 =	vand.u32 $0xFFFFFFF0, v16  }
0xe4: {  	v3 =	vor.u32 v3, v4  }
0xe5: {  	v4 =	vperm.xlane v3, v0;
	_ =	sdelay $0x1  }
0xe6: {  	v3 =	vperm.xlane v3, v2;
	v4 =	vadd.s32 v1, v4;
	_ =	sdelay $0x1  }
0xe7: {  	v3 =	vadd.s32 v1, v3;
	_ =	sdelay $0x1  }
0xe8: {  	s4 =	simm.s32 $0x10400  }
0xe9: {  	[tilespmem:s4], [sflag:$0x9] =	stream.indirect_vreg.gather [hbm4b:s1+s3], $0x80, v4, vm0, $0xb8;
	[tilespmem:$0x1C400] =	vst v63  }
0xea: {  	s9 =	simm.s32 $0x10C00  }
0xeb: {  	[tilespmem:s9], [sflag:$0x9] =	stream.indirect_vreg.gather [hbm4b:s1+s3], $0x80, v3, vm0, $0xb8;
	[tilespmem:$0x1C400] =	vst v63  }
0xec: {  	v3 =	vld [tilespmem:$0x110];
	_ =	sdelay $0x4  }
0xed: {  	v17 =	vshll.u32 v3, $0x1  }
0xee: {  	v3 =	vand.u32 $0x7, v3;
	v4 =	vand.u32 $0xFFFFFFF0, v17  }
0xef: {  	v3 =	vor.u32 v3, v4  }
0xf0: {  	v4 =	vperm.xlane v3, v0;
	_ =	sdelay $0x1  }
0xf1: {  	v3 =	vperm.xlane v3, v2;
	v4 =	vadd.s32 v1, v4;
	_ =	sdelay $0x1  }
0xf2: {  	v3 =	vadd.s32 v1, v3;
	_ =	sdelay $0x1  }
0xf3: {  	s16 =	simm.s32 $0x11400  }
0xf4: {  	[tilespmem:s16], [sflag:$0x9] =	stream.indirect_vreg.gather [hbm4b:s1+s3], $0x80, v4, vm0, $0xb8;
	[tilespmem:$0x1C400] =	vst v63  }
0xf5: {  	s18 =	simm.s32 $0x11C00  }
0xf6: {  	[tilespmem:s18], [sflag:$0x9] =	stream.indirect_vreg.gather [hbm4b:s1+s3], $0x80, v3, vm0, $0xb8;
	[tilespmem:$0x1C400] =	vst v63  }
0xf7: {  	v3 =	vld [tilespmem:$0x120];
	_ =	sdelay $0x4  }
0xf8: {  	v18 =	vshll.u32 v3, $0x1  }
0xf9: {  	v3 =	vand.u32 $0x7, v3;
	v4 =	vand.u32 $0xFFFFFFF0, v18  }
0xfa: {  	v3 =	vor.u32 v3, v4  }
0xfb: {  	v4 =	vperm.xlane v3, v0;
	_ =	sdelay $0x1  }
0xfc: {  	v3 =	vperm.xlane v3, v2;
	v4 =	vadd.s32 v1, v4;
	_ =	sdelay $0x1  }
0xfd: {  	v3 =	vadd.s32 v1, v3;
	_ =	sdelay $0x1  }
0xfe: {  	s2 =	simm.s32 $0x12400  }
0xff: {  	[tilespmem:s2], [sflag:$0xA] =	stream.indirect_vreg.gather [hbm4b:s1+s3], $0x80, v4, vm0, $0xb8;
	[tilespmem:$0x1C400] =	vst v63  }
0x100: {  	s4 =	simm.s32 $0x12C00  }
0x101: {  	[tilespmem:s4], [sflag:$0xA] =	stream.indirect_vreg.gather [hbm4b:s1+s3], $0x80, v3, vm0, $0xb8;
	[tilespmem:$0x1C400] =	vst v63  }
0x102: {  	v3 =	vld [tilespmem:$0x130];
	_ =	sdelay $0x4  }
0x103: {  	v19 =	vshll.u32 v3, $0x1  }
0x104: {  	v3 =	vand.u32 $0x7, v3;
	v4 =	vand.u32 $0xFFFFFFF0, v19  }
0x105: {  	v3 =	vor.u32 v3, v4  }
0x106: {  	v4 =	vperm.xlane v3, v0;
	_ =	sdelay $0x1  }
0x107: {  	v3 =	vperm.xlane v3, v2;
	v4 =	vadd.s32 v1, v4;
	_ =	sdelay $0x1  }
0x108: {  	v3 =	vadd.s32 v1, v3;
	_ =	sdelay $0x1  }
0x109: {  	s9 =	simm.s32 $0x13400  }
0x10a: {  	[tilespmem:s9], [sflag:$0xA] =	stream.indirect_vreg.gather [hbm4b:s1+s3], $0x80, v4, vm0, $0xb8;
	[tilespmem:$0x1C400] =	vst v63  }
0x10b: {  	s16 =	simm.s32 $0x13C00  }
0x10c: {  	[tilespmem:s16], [sflag:$0xA] =	stream.indirect_vreg.gather [hbm4b:s1+s3], $0x80, v3, vm0, $0xb8;
	[tilespmem:$0x1C400] =	vst v63  }
0x10d: {  	v3 =	vld [tilespmem:$0x140];
	_ =	sdelay $0x4  }
0x10e: {  	v20 =	vshll.u32 v3, $0x1  }
0x10f: {  	v3 =	vand.u32 $0x7, v3;
	v4 =	vand.u32 $0xFFFFFFF0, v20  }
0x110: {  	v3 =	vor.u32 v3, v4  }
0x111: {  	v4 =	vperm.xlane v3, v0;
	_ =	sdelay $0x1  }
0x112: {  	v3 =	vperm.xlane v3, v2;
	v4 =	vadd.s32 v1, v4;
	_ =	sdelay $0x1  }
0x113: {  	v3 =	vadd.s32 v1, v3;
	_ =	sdelay $0x1  }
0x114: {  	s18 =	simm.s32 $0x14400  }
0x115: {  	[tilespmem:s18], [sflag:$0xB] =	stream.indirect_vreg.gather [hbm4b:s1+s3], $0x80, v4, vm0, $0xb8;
	[tilespmem:$0x1C400] =	vst v63  }
0x116: {  	s2 =	simm.s32 $0x14C00  }
0x117: {  	[tilespmem:s2], [sflag:$0xB] =	stream.indirect_vreg.gather [hbm4b:s1+s3], $0x80, v3, vm0, $0xb8;
	[tilespmem:$0x1C400] =	vst v63  }
0x118: {  	v3 =	vld [tilespmem:$0x150];
	_ =	sdelay $0x4  }
0x119: {  	v21 =	vshll.u32 v3, $0x1  }
0x11a: {  	v3 =	vand.u32 $0x7, v3;
	v4 =	vand.u32 $0xFFFFFFF0, v21  }
0x11b: {  	v3 =	vor.u32 v3, v4  }
0x11c: {  	v4 =	vperm.xlane v3, v0;
	_ =	sdelay $0x1  }
0x11d: {  	v3 =	vperm.xlane v3, v2;
	v4 =	vadd.s32 v1, v4;
	_ =	sdelay $0x1  }
0x11e: {  	v3 =	vadd.s32 v1, v3;
	_ =	sdelay $0x1  }
0x11f: {  	s4 =	simm.s32 $0x15400  }
0x120: {  	[tilespmem:s4], [sflag:$0xB] =	stream.indirect_vreg.gather [hbm4b:s1+s3], $0x80, v4, vm0, $0xb8;
	[tilespmem:$0x1C400] =	vst v63  }
0x121: {  	s9 =	simm.s32 $0x15C00  }
0x122: {  	[tilespmem:s9], [sflag:$0xB] =	stream.indirect_vreg.gather [hbm4b:s1+s3], $0x80, v3, vm0, $0xb8;
	[tilespmem:$0x1C400] =	vst v63  }
0x123: {  	v3 =	vld [tilespmem:$0x160];
	_ =	sdelay $0x4  }
0x124: {  	v22 =	vshll.u32 v3, $0x1  }
0x125: {  	v3 =	vand.u32 $0x7, v3;
	v4 =	vand.u32 $0xFFFFFFF0, v22  }
0x126: {  	v3 =	vor.u32 v3, v4  }
0x127: {  	v4 =	vperm.xlane v3, v0;
	_ =	sdelay $0x1  }
0x128: {  	v3 =	vperm.xlane v3, v2;
	v4 =	vadd.s32 v1, v4;
	_ =	sdelay $0x1  }
0x129: {  	v3 =	vadd.s32 v1, v3;
	_ =	sdelay $0x1  }
0x12a: {  	s16 =	simm.s32 $0x16400  }
0x12b: {  	[tilespmem:s16], [sflag:$0xC] =	stream.indirect_vreg.gather [hbm4b:s1+s3], $0x80, v4, vm0, $0xb8;
	[tilespmem:$0x1C400] =	vst v63  }
0x12c: {  	s18 =	simm.s32 $0x16C00  }
0x12d: {  	[tilespmem:s18], [sflag:$0xC] =	stream.indirect_vreg.gather [hbm4b:s1+s3], $0x80, v3, vm0, $0xb8;
	[tilespmem:$0x1C400] =	vst v63  }
0x12e: {  	v3 =	vld [tilespmem:$0x170];
	_ =	sdelay $0x4  }
0x12f: {  	v23 =	vshll.u32 v3, $0x1  }
0x130: {  	v3 =	vand.u32 $0x7, v3;
	v4 =	vand.u32 $0xFFFFFFF0, v23  }
0x131: {  	v3 =	vor.u32 v3, v4  }
0x132: {  	v4 =	vperm.xlane v3, v0;
	_ =	sdelay $0x1  }
0x133: {  	v3 =	vperm.xlane v3, v2;
	v4 =	vadd.s32 v1, v4;
	_ =	sdelay $0x1  }
0x134: {  	v3 =	vadd.s32 v1, v3;
	_ =	sdelay $0x1  }
0x135: {  	s2 =	simm.s32 $0x17400  }
0x136: {  	[tilespmem:s2], [sflag:$0xC] =	stream.indirect_vreg.gather [hbm4b:s1+s3], $0x80, v4, vm0, $0xb8;
	[tilespmem:$0x1C400] =	vst v63  }
0x137: {  	s9 =	simm.s32 $0x17C00;
	s18 =	sld [smem:$0x7FD]  }
0x138: {  	[tilespmem:s9], [sflag:$0xC] =	stream.indirect_vreg.gather [hbm4b:s1+s3], $0x80, v3, vm0, $0xb8;
	[tilespmem:$0x1C400] =	vst v63  }
0x139: {  	s4 =	rddreg [dreg:$0x5]  }
0x13a: {  	[tilespmem:s18], [sflag:$0x1D] =	stream.linear.gather [hbm4b:s4+s3], $0x280, $0x38;
	[tilespmem:$0x1C400] =	vst v63  }
0x13b: {  	_ =	swait.ge [sflag:s21], $0x280  }
0x13c: {  	[sflag:s21] =	ssyncset.done $0x0  }
0x13d: {  	s2 =	simm.s32 $0x1;
	[sflag:s21] =	ssyncadd.s32 $0xFFFFFD80  }
0x13e: {  	_ =	swait.ge [sflag:s2], $0x2000  }
0x13f: {  	s4 =	sld [smem:$0x7FB]  }
0x140: {  	[sflag:s2] =	ssyncset.done $0x0  }
0x141: {  	s0 =	simm.s32 $0x400;
	[sflag:s2] =	ssyncadd.s32 $0xFFFFE000  }
0x142: {  	[hbm4b:s4+s3] =	stream.linear.scatter [tilespmem:s0], [sflag:$0xF], $0x2000, $0x38;
	[tilespmem:$0x1C400] =	vst v63  }
0x143: {  	v3 =	vld [tilespmem:$0x180];
	_ =	sdelay $0x4  }
0x144: {  	v24 =	vshll.u32 v3, $0x1  }
0x145: {  	v3 =	vand.u32 $0x7, v3;
	v4 =	vand.u32 $0xFFFFFFF0, v24  }
0x146: {  	v3 =	vor.u32 v3, v4  }
0x147: {  	v4 =	vperm.xlane v3, v0;
	_ =	sdelay $0x1  }
0x148: {  	v3 =	vperm.xlane v3, v2;
	v4 =	vadd.s32 v1, v4;
	_ =	sdelay $0x1  }
0x149: {  	v3 =	vadd.s32 v1, v3;
	_ =	sdelay $0x1  }
0x14a: {  	s9 =	simm.s32 $0x18400  }
0x14b: {  	[tilespmem:s9], [sflag:$0xD] =	stream.indirect_vreg.gather [hbm4b:s1+s3], $0x80, v4, vm0, $0xb8;
	[tilespmem:$0x1C400] =	vst v63  }
0x14c: {  	s16 =	simm.s32 $0x18C00  }
0x14d: {  	[tilespmem:s16], [sflag:$0xD] =	stream.indirect_vreg.gather [hbm4b:s1+s3], $0x80, v3, vm0, $0xb8;
	[tilespmem:$0x1C400] =	vst v63  }
0x14e: {  	v3 =	vld [tilespmem:$0x190];
	_ =	sdelay $0x4  }
0x14f: {  	v25 =	vshll.u32 v3, $0x1  }
0x150: {  	v3 =	vand.u32 $0x7, v3;
	v4 =	vand.u32 $0xFFFFFFF0, v25  }
0x151: {  	v3 =	vor.u32 v3, v4  }
0x152: {  	v4 =	vperm.xlane v3, v0;
	_ =	sdelay $0x1  }
0x153: {  	v3 =	vperm.xlane v3, v2;
	v4 =	vadd.s32 v1, v4;
	_ =	sdelay $0x1  }
0x154: {  	v3 =	vadd.s32 v1, v3;
	_ =	sdelay $0x1  }
0x155: {  	s18 =	simm.s32 $0x19400  }
0x156: {  	[tilespmem:s18], [sflag:$0xD] =	stream.indirect_vreg.gather [hbm4b:s1+s3], $0x80, v4, vm0, $0xb8;
	[tilespmem:$0x1C400] =	vst v63  }
0x157: {  	s21 =	simm.s32 $0x19C00  }
0x158: {  	[tilespmem:s21], [sflag:$0xD] =	stream.indirect_vreg.gather [hbm4b:s1+s3], $0x80, v3, vm0, $0xb8;
	[tilespmem:$0x1C400] =	vst v63  }
0x159: {  	_ =	swait.ge [sflag:s24], $0x2000  }
0x15a: {  	[sflag:s24] =	ssyncset.done $0x0  }
0x15b: {  	s2 =	simm.s32 $0x2400;
	s4 =	rddreg [dreg:$0x6];
	[sflag:s24] =	ssyncadd.s32 $0xFFFFE000  }
0x15c: {  	[hbm4b:s4+s3] =	stream.linear.scatter [tilespmem:s2], [sflag:$0x10], $0x2000, $0x38;
	[tilespmem:$0x1C400] =	vst v63  }
0x15d: {  	v3 =	vld [tilespmem:$0x1A0];
	_ =	sdelay $0x4  }
0x15e: {  	v26 =	vshll.u32 v3, $0x1  }
0x15f: {  	v3 =	vand.u32 $0x7, v3;
	v4 =	vand.u32 $0xFFFFFFF0, v26  }
0x160: {  	v3 =	vor.u32 v3, v4  }
0x161: {  	v4 =	vperm.xlane v3, v0;
	_ =	sdelay $0x1  }
0x162: {  	v3 =	vperm.xlane v3, v2;
	v4 =	vadd.s32 v1, v4;
	_ =	sdelay $0x1  }
0x163: {  	v3 =	vadd.s32 v1, v3;
	_ =	sdelay $0x1  }
0x164: {  	s4 =	simm.s32 $0x1A400  }
0x165: {  	[tilespmem:s4], [sflag:$0xE] =	stream.indirect_vreg.gather [hbm4b:s1+s3], $0x80, v4, vm0, $0xb8;
	[tilespmem:$0x1C400] =	vst v63  }
0x166: {  	s9 =	simm.s32 $0x1AC00  }
0x167: {  	[tilespmem:s9], [sflag:$0xE] =	stream.indirect_vreg.gather [hbm4b:s1+s3], $0x80, v3, vm0, $0xb8;
	[tilespmem:$0x1C400] =	vst v63  }
0x168: {  	v3 =	vld [tilespmem:$0x1B0];
	_ =	sdelay $0x4  }
0x169: {  	v27 =	vshll.u32 v3, $0x1  }
0x16a: {  	v3 =	vand.u32 $0x7, v3;
	v4 =	vand.u32 $0xFFFFFFF0, v27  }
0x16b: {  	v3 =	vor.u32 v3, v4  }
0x16c: {  	v4 =	vperm.xlane v3, v0;
	_ =	sdelay $0x1  }
0x16d: {  	v3 =	vperm.xlane v3, v2;
	v4 =	vadd.s32 v1, v4;
	_ =	sdelay $0x1  }
0x16e: {  	v3 =	vadd.s32 v1, v3;
	_ =	sdelay $0x1  }
0x16f: {  	s16 =	simm.s32 $0x1B400  }
0x170: {  	[tilespmem:s16], [sflag:$0xE] =	stream.indirect_vreg.gather [hbm4b:s1+s3], $0x80, v4, vm0, $0xb8;
	[tilespmem:$0x1C400] =	vst v63  }
0x171: {  	s18 =	simm.s32 $0x1BC00  }
0x172: {  	[tilespmem:s18], [sflag:$0xE] =	stream.indirect_vreg.gather [hbm4b:s1+s3], $0x80, v3, vm0, $0xb8;
	[tilespmem:$0x1C400] =	vst v63  }
0x173: {  	s18 =	simm.s32 $0x3  }
0x174: {  	_ =	swait.ge [sflag:s18], $0x2000  }
0x175: {  	s4 =	simm.s32 $0x4400;
	[sflag:s18] =	ssyncset.done $0x0  }
0x176: {  	s9 =	simm.s32 $0xF;
	s21 =	rddreg [dreg:$0x7];
	[sflag:s18] =	ssyncadd.s32 $0xFFFFE000  }
0x177: {  	[hbm4b:s21+s3] =	stream.linear.scatter [tilespmem:s4], [sflag:$0x11], $0x2000, $0x38;
	[tilespmem:$0x1C400] =	vst v63  }
0x178: {  	_ =	swait.ge [sflag:s9], $0x2000  }
0x179: {  	[sflag:s9] =	ssyncset.done $0x0  }
0x17a: {  	[sflag:s9] =	ssyncadd.s32 $0xFFFFE000  }
0x17b: {  	v3 =	vld [tilespmem:$0x1C0];
	_ =	sdelay $0x4  }
0x17c: {  	v28 =	vshll.u32 v3, $0x1  }
0x17d: {  	v3 =	vand.u32 $0x7, v3;
	v4 =	vand.u32 $0xFFFFFFF0, v28  }
0x17e: {  	v3 =	vor.u32 v3, v4  }
0x17f: {  	v4 =	vperm.xlane v3, v0;
	_ =	sdelay $0x1  }
0x180: {  	v3 =	vperm.xlane v3, v2;
	v4 =	vadd.s32 v1, v4;
	_ =	sdelay $0x1  }
0x181: {  	v3 =	vadd.s32 v1, v3;
	_ =	sdelay $0x2  }
0x182: {  	[tilespmem:s0], [sflag:$0x1] =	stream.indirect_vreg.gather [hbm4b:s1+s3], $0x80, v4, vm0, $0xb8;
	[tilespmem:$0x1C400] =	vst v63  }
0x183: {  	s12 =	simm.s32 $0xC00  }
0x184: {  	[tilespmem:s12], [sflag:$0x1] =	stream.indirect_vreg.gather [hbm4b:s1+s3], $0x80, v3, vm0, $0xb8;
	[tilespmem:$0x1C400] =	vst v63  }
0x185: {  	v3 =	vld [tilespmem:$0x1D0];
	_ =	sdelay $0x4  }
0x186: {  	v29 =	vshll.u32 v3, $0x1  }
0x187: {  	v3 =	vand.u32 $0x7, v3;
	v4 =	vand.u32 $0xFFFFFFF0, v29  }
0x188: {  	v3 =	vor.u32 v3, v4  }
0x189: {  	v4 =	vperm.xlane v3, v0;
	_ =	sdelay $0x1  }
0x18a: {  	v3 =	vperm.xlane v3, v2;
	v4 =	vadd.s32 v1, v4;
	_ =	sdelay $0x1  }
0x18b: {  	v3 =	vadd.s32 v1, v3;
	_ =	sdelay $0x1  }
0x18c: {  	s14 =	simm.s32 $0x1400  }
0x18d: {  	[tilespmem:s14], [sflag:$0x1] =	stream.indirect_vreg.gather [hbm4b:s1+s3], $0x80, v4, vm0, $0xb8;
	[tilespmem:$0x1C400] =	vst v63  }
0x18e: {  	s23 =	simm.s32 $0x1C00;
	s14 =	simm.s32 $0x4  }
0x18f: {  	[tilespmem:s23], [sflag:$0x1] =	stream.indirect_vreg.gather [hbm4b:s1+s3], $0x80, v3, vm0, $0xb8;
	[tilespmem:$0x1C400] =	vst v63  }
0x190: {  	_ =	swait.ge [sflag:s14], $0x2000  }
0x191: {  	s21 =	simm.s32 $0x10;
	[sflag:s14] =	ssyncset.done $0x0  }
0x192: {  	s0 =	simm.s32 $0x6400;
	s23 =	rddreg [dreg:$0x8];
	[sflag:s14] =	ssyncadd.s32 $0xFFFFE000  }
0x193: {  	[hbm4b:s23+s3] =	stream.linear.scatter [tilespmem:s0], [sflag:$0x12], $0x2000, $0x38;
	[tilespmem:$0x1C400] =	vst v63  }
0x194: {  	_ =	swait.ge [sflag:s21], $0x2000  }
0x195: {  	[sflag:s21] =	ssyncset.done $0x0  }
0x196: {  	[sflag:s21] =	ssyncadd.s32 $0xFFFFE000  }
0x197: {  	v3 =	vld [tilespmem:$0x1E0];
	_ =	sdelay $0x4  }
0x198: {  	v30 =	vshll.u32 v3, $0x1  }
0x199: {  	v3 =	vand.u32 $0x7, v3;
	v4 =	vand.u32 $0xFFFFFFF0, v30  }
0x19a: {  	v3 =	vor.u32 v3, v4  }
0x19b: {  	v4 =	vperm.xlane v3, v0;
	_ =	sdelay $0x1  }
0x19c: {  	v3 =	vperm.xlane v3, v2;
	v4 =	vadd.s32 v1, v4;
	_ =	sdelay $0x1  }
0x19d: {  	v3 =	vadd.s32 v1, v3;
	_ =	sdelay $0x2  }
0x19e: {  	[tilespmem:s2], [sflag:$0x2] =	stream.indirect_vreg.gather [hbm4b:s1+s3], $0x80, v4, vm0, $0xb8;
	[tilespmem:$0x1C400] =	vst v63  }
0x19f: {  	s20 =	simm.s32 $0x2C00  }
0x1a0: {  	[tilespmem:s20], [sflag:$0x2] =	stream.indirect_vreg.gather [hbm4b:s1+s3], $0x80, v3, vm0, $0xb8;
	[tilespmem:$0x1C400] =	vst v63  }
0x1a1: {  	v3 =	vld [tilespmem:$0x1F0];
	_ =	sdelay $0x4  }
0x1a2: {  	v31 =	vshll.u32 v3, $0x1  }
0x1a3: {  	v3 =	vand.u32 $0x7, v3;
	v4 =	vand.u32 $0xFFFFFFF0, v31  }
0x1a4: {  	v3 =	vor.u32 v3, v4  }
0x1a5: {  	v4 =	vperm.xlane v3, v0;
	_ =	sdelay $0x1  }
0x1a6: {  	v3 =	vperm.xlane v3, v2;
	v4 =	vadd.s32 v1, v4;
	_ =	sdelay $0x1  }
0x1a7: {  	v3 =	vadd.s32 v1, v3;
	_ =	sdelay $0x1  }
0x1a8: {  	s8 =	simm.s32 $0x3400  }
0x1a9: {  	[tilespmem:s8], [sflag:$0x2] =	stream.indirect_vreg.gather [hbm4b:s1+s3], $0x80, v4, vm0, $0xb8;
	[tilespmem:$0x1C400] =	vst v63  }
0x1aa: {  	s22 =	simm.s32 $0x3C00;
	s8 =	simm.s32 $0x5  }
0x1ab: {  	[tilespmem:s22], [sflag:$0x2] =	stream.indirect_vreg.gather [hbm4b:s1+s3], $0x80, v3, vm0, $0xb8;
	[tilespmem:$0x1C400] =	vst v63  }
0x1ac: {  	_ =	swait.ge [sflag:s8], $0x2000  }
0x1ad: {  	s12 =	simm.s32 $0x8400;
	[sflag:s8] =	ssyncset.done $0x0  }
0x1ae: {  	s20 =	simm.s32 $0x11;
	s9 =	rddreg [dreg:$0x9];
	[sflag:s8] =	ssyncadd.s32 $0xFFFFE000  }
0x1af: {  	[hbm4b:s9+s3] =	stream.linear.scatter [tilespmem:s12], [sflag:$0x13], $0x2000, $0x38;
	[tilespmem:$0x1C400] =	vst v63  }
0x1b0: {  	_ =	swait.ge [sflag:s20], $0x2000  }
0x1b1: {  	[sflag:s20] =	ssyncset.done $0x0  }
0x1b2: {  	[sflag:s20] =	ssyncadd.s32 $0xFFFFE000  }
0x1b3: {  	v3 =	vld [tilespmem:$0x200];
	_ =	sdelay $0x4  }
0x1b4: {  	v32 =	vshll.u32 v3, $0x1  }
0x1b5: {  	v3 =	vand.u32 $0x7, v3;
	v4 =	vand.u32 $0xFFFFFFF0, v32  }
0x1b6: {  	v3 =	vor.u32 v3, v4  }
0x1b7: {  	v4 =	vperm.xlane v3, v0;
	_ =	sdelay $0x1  }
0x1b8: {  	v3 =	vperm.xlane v3, v2;
	v4 =	vadd.s32 v1, v4;
	_ =	sdelay $0x1  }
0x1b9: {  	v3 =	vadd.s32 v1, v3;
	_ =	sdelay $0x2  }
0x1ba: {  	[tilespmem:s4], [sflag:$0x3] =	stream.indirect_vreg.gather [hbm4b:s1+s3], $0x80, v4, vm0, $0xb8;
	[tilespmem:$0x1C400] =	vst v63  }
0x1bb: {  	s15 =	simm.s32 $0x4C00  }
0x1bc: {  	[tilespmem:s15], [sflag:$0x3] =	stream.indirect_vreg.gather [hbm4b:s1+s3], $0x80, v3, vm0, $0xb8;
	[tilespmem:$0x1C400] =	vst v63  }
0x1bd: {  	v3 =	vld [tilespmem:$0x210];
	_ =	sdelay $0x4  }
0x1be: {  	v33 =	vshll.u32 v3, $0x1  }
0x1bf: {  	v3 =	vand.u32 $0x7, v3;
	v4 =	vand.u32 $0xFFFFFFF0, v33  }
0x1c0: {  	v3 =	vor.u32 v3, v4  }
0x1c1: {  	v4 =	vperm.xlane v3, v0;
	_ =	sdelay $0x1  }
0x1c2: {  	v3 =	vperm.xlane v3, v2;
	v4 =	vadd.s32 v1, v4;
	_ =	sdelay $0x1  }
0x1c3: {  	v3 =	vadd.s32 v1, v3;
	_ =	sdelay $0x1  }
0x1c4: {  	s5 =	simm.s32 $0x5400  }
0x1c5: {  	[tilespmem:s5], [sflag:$0x3] =	stream.indirect_vreg.gather [hbm4b:s1+s3], $0x80, v4, vm0, $0xb8;
	[tilespmem:$0x1C400] =	vst v63  }
0x1c6: {  	s19 =	simm.s32 $0x5C00  }
0x1c7: {  	[tilespmem:s19], [sflag:$0x3] =	stream.indirect_vreg.gather [hbm4b:s1+s3], $0x80, v3, vm0, $0xb8;
	[tilespmem:$0x1C400] =	vst v63  }
0x1c8: {  	_ =	swait.ge [sflag:s26], $0x2000  }
0x1c9: {  	[sflag:s26] =	ssyncset.done $0x0  }
0x1ca: {  	s23 =	simm.s32 $0xA400;
	s19 =	rddreg [dreg:$0xa];
	[sflag:s26] =	ssyncadd.s32 $0xFFFFE000  }
0x1cb: {  	[hbm4b:s19+s3] =	stream.linear.scatter [tilespmem:s23], [sflag:$0x14], $0x2000, $0x38;
	[tilespmem:$0x1C400] =	vst v63  }
0x1cc: {  	_ =	swait.ge [sflag:s10], $0x2000  }
0x1cd: {  	[sflag:s10] =	ssyncset.done $0x0  }
0x1ce: {  	[sflag:s10] =	ssyncadd.s32 $0xFFFFE000  }
0x1cf: {  	v3 =	vld [tilespmem:$0x220];
	_ =	sdelay $0x4  }
0x1d0: {  	v34 =	vshll.u32 v3, $0x1  }
0x1d1: {  	v3 =	vand.u32 $0x7, v3;
	v4 =	vand.u32 $0xFFFFFFF0, v34  }
0x1d2: {  	v3 =	vor.u32 v3, v4  }
0x1d3: {  	v4 =	vperm.xlane v3, v0;
	_ =	sdelay $0x1  }
0x1d4: {  	v3 =	vperm.xlane v3, v2;
	v4 =	vadd.s32 v1, v4;
	_ =	sdelay $0x1  }
0x1d5: {  	v3 =	vadd.s32 v1, v3;
	_ =	sdelay $0x2  }
0x1d6: {  	[tilespmem:s0], [sflag:$0x4] =	stream.indirect_vreg.gather [hbm4b:s1+s3], $0x80, v4, vm0, $0xb8;
	[tilespmem:$0x1C400] =	vst v63  }
0x1d7: {  	s7 =	simm.s32 $0x6C00  }
0x1d8: {  	[tilespmem:s7], [sflag:$0x4] =	stream.indirect_vreg.gather [hbm4b:s1+s3], $0x80, v3, vm0, $0xb8;
	[tilespmem:$0x1C400] =	vst v63  }
0x1d9: {  	v3 =	vld [tilespmem:$0x230];
	_ =	sdelay $0x4  }
0x1da: {  	v35 =	vshll.u32 v3, $0x1  }
0x1db: {  	v3 =	vand.u32 $0x7, v3;
	v4 =	vand.u32 $0xFFFFFFF0, v35  }
0x1dc: {  	v3 =	vor.u32 v3, v4  }
0x1dd: {  	v4 =	vperm.xlane v3, v0;
	_ =	sdelay $0x1  }
0x1de: {  	v3 =	vperm.xlane v3, v2;
	v4 =	vadd.s32 v1, v4;
	_ =	sdelay $0x1  }
0x1df: {  	v3 =	vadd.s32 v1, v3;
	_ =	sdelay $0x1  }
0x1e0: {  	s6 =	simm.s32 $0x7400  }
0x1e1: {  	[tilespmem:s6], [sflag:$0x4] =	stream.indirect_vreg.gather [hbm4b:s1+s3], $0x80, v4, vm0, $0xb8;
	[tilespmem:$0x1C400] =	vst v63  }
0x1e2: {  	s25 =	simm.s32 $0x7C00  }
0x1e3: {  	[tilespmem:s25], [sflag:$0x4] =	stream.indirect_vreg.gather [hbm4b:s1+s3], $0x80, v3, vm0, $0xb8;
	[tilespmem:$0x1C400] =	vst v63  }
0x1e4: {  	s25 =	simm.s32 $0x7  }
0x1e5: {  	_ =	swait.ge [sflag:s25], $0x2000  }
0x1e6: {  	s5 =	simm.s32 $0xC400;
	[sflag:s25] =	ssyncset.done $0x0  }
0x1e7: {  	s6 =	simm.s32 $0x13;
	s2 =	rddreg [dreg:$0xb];
	[sflag:s25] =	ssyncadd.s32 $0xFFFFE000  }
0x1e8: {  	[hbm4b:s2+s3] =	stream.linear.scatter [tilespmem:s5], [sflag:$0x15], $0x2000, $0x38;
	[tilespmem:$0x1C400] =	vst v63  }
0x1e9: {  	_ =	swait.ge [sflag:s6], $0x2000  }
0x1ea: {  	[sflag:s6] =	ssyncset.done $0x0  }
0x1eb: {  	[sflag:s6] =	ssyncadd.s32 $0xFFFFE000  }
0x1ec: {  	v3 =	vld [tilespmem:$0x240];
	_ =	sdelay $0x4  }
0x1ed: {  	v36 =	vshll.u32 v3, $0x1  }
0x1ee: {  	v3 =	vand.u32 $0x7, v3;
	v4 =	vand.u32 $0xFFFFFFF0, v36  }
0x1ef: {  	v3 =	vor.u32 v3, v4  }
0x1f0: {  	v4 =	vperm.xlane v3, v0;
	_ =	sdelay $0x1  }
0x1f1: {  	v3 =	vperm.xlane v3, v2;
	v4 =	vadd.s32 v1, v4;
	_ =	sdelay $0x1  }
0x1f2: {  	v3 =	vadd.s32 v1, v3;
	_ =	sdelay $0x2  }
0x1f3: {  	[tilespmem:s12], [sflag:$0x5] =	stream.indirect_vreg.gather [hbm4b:s1+s3], $0x80, v4, vm0, $0xb8;
	[tilespmem:$0x1C400] =	vst v63  }
0x1f4: {  	_ = 	snop  }
0x1f5: {  	[tilespmem:s28], [sflag:$0x5] =	stream.indirect_vreg.gather [hbm4b:s1+s3], $0x80, v3, vm0, $0xb8;
	[tilespmem:$0x1C400] =	vst v63  }
0x1f6: {  	v3 =	vld [tilespmem:$0x250];
	_ =	sdelay $0x4  }
0x1f7: {  	v37 =	vshll.u32 v3, $0x1  }
0x1f8: {  	v3 =	vand.u32 $0x7, v3;
	v4 =	vand.u32 $0xFFFFFFF0, v37  }
0x1f9: {  	v3 =	vor.u32 v3, v4  }
0x1fa: {  	v4 =	vperm.xlane v3, v0;
	_ =	sdelay $0x1  }
0x1fb: {  	v3 =	vperm.xlane v3, v2;
	v4 =	vadd.s32 v1, v4;
	_ =	sdelay $0x1  }
0x1fc: {  	v3 =	vadd.s32 v1, v3;
	_ =	sdelay $0x2  }
0x1fd: {  	[tilespmem:s13], [sflag:$0x5] =	stream.indirect_vreg.gather [hbm4b:s1+s3], $0x80, v4, vm0, $0xb8;
	[tilespmem:$0x1C400] =	vst v63  }
0x1fe: {  	s13 =	simm.s32 $0x8  }
0x1ff: {  	[tilespmem:s30], [sflag:$0x5] =	stream.indirect_vreg.gather [hbm4b:s1+s3], $0x80, v3, vm0, $0xb8;
	[tilespmem:$0x1C400] =	vst v63  }
0x200: {  	_ =	swait.ge [sflag:s13], $0x2000  }
0x201: {  	s8 =	simm.s32 $0xE400;
	[sflag:s13] =	ssyncset.done $0x0  }
0x202: {  	s9 =	simm.s32 $0x14;
	s7 =	rddreg [dreg:$0xc];
	[sflag:s13] =	ssyncadd.s32 $0xFFFFE000  }
0x203: {  	[hbm4b:s7+s3] =	stream.linear.scatter [tilespmem:s8], [sflag:$0x16], $0x2000, $0x38;
	[tilespmem:$0x1C400] =	vst v63  }
0x204: {  	_ =	swait.ge [sflag:s9], $0x2000  }
0x205: {  	[sflag:s9] =	ssyncset.done $0x0  }
0x206: {  	[sflag:s9] =	ssyncadd.s32 $0xFFFFE000  }
0x207: {  	v3 =	vld [tilespmem:$0x260];
	_ =	sdelay $0x4  }
0x208: {  	v38 =	vshll.u32 v3, $0x1  }
0x209: {  	v3 =	vand.u32 $0x7, v3;
	v4 =	vand.u32 $0xFFFFFFF0, v38  }
0x20a: {  	v3 =	vor.u32 v3, v4  }
0x20b: {  	v4 =	vperm.xlane v3, v0;
	_ =	sdelay $0x1  }
0x20c: {  	v3 =	vperm.xlane v3, v2;
	v4 =	vadd.s32 v1, v4;
	_ =	sdelay $0x1  }
0x20d: {  	v3 =	vadd.s32 v1, v3;
	_ =	sdelay $0x2  }
0x20e: {  	[tilespmem:s23], [sflag:$0x6] =	stream.indirect_vreg.gather [hbm4b:s1+s3], $0x80, v4, vm0, $0xb8;
	[tilespmem:$0x1C400] =	vst v63  }
0x20f: {  	_ = 	snop  }
0x210: {  	[tilespmem:s31], [sflag:$0x6] =	stream.indirect_vreg.gather [hbm4b:s1+s3], $0x80, v3, vm0, $0xb8;
	[tilespmem:$0x1C400] =	vst v63  }
0x211: {  	v3 =	vld [tilespmem:$0x270];
	_ =	sdelay $0x4  }
0x212: {  	v39 =	vshll.u32 v3, $0x1  }
0x213: {  	v3 =	vand.u32 $0x7, v3;
	v4 =	vand.u32 $0xFFFFFFF0, v39  }
0x214: {  	v3 =	vor.u32 v3, v4  }
0x215: {  	v4 =	vperm.xlane v3, v0;
	_ =	sdelay $0x1  }
0x216: {  	v3 =	vperm.xlane v3, v2;
	v4 =	vadd.s32 v1, v4;
	_ =	sdelay $0x1  }
0x217: {  	v3 =	vadd.s32 v1, v3;
	_ =	sdelay $0x2  }
0x218: {  	[tilespmem:s17], [sflag:$0x6] =	stream.indirect_vreg.gather [hbm4b:s1+s3], $0x80, v4, vm0, $0xb8;
	[tilespmem:$0x1C400] =	vst v63  }
0x219: {  	_ = 	snop  }
0x21a: {  	[tilespmem:s11], [sflag:$0x6] =	stream.indirect_vreg.gather [hbm4b:s1+s3], $0x80, v3, vm0, $0xb8;
	[tilespmem:$0x1C400] =	vst v63  }
0x21b: {  	s11 =	simm.s32 $0x9  }
0x21c: {  	_ =	swait.ge [sflag:s11], $0x2000  }
0x21d: {  	s16 =	simm.s32 $0x15;
	[sflag:s11] =	ssyncset.done $0x0  }
0x21e: {  	s15 =	simm.s32 $0x10400;
	s12 =	rddreg [dreg:$0xd];
	[sflag:s11] =	ssyncadd.s32 $0xFFFFE000  }
0x21f: {  	[hbm4b:s12+s3] =	stream.linear.scatter [tilespmem:s15], [sflag:$0x17], $0x2000, $0x38;
	[tilespmem:$0x1C400] =	vst v63  }
0x220: {  	_ =	swait.ge [sflag:s16], $0x2000  }
0x221: {  	[sflag:s16] =	ssyncset.done $0x0  }
0x222: {  	[sflag:s16] =	ssyncadd.s32 $0xFFFFE000  }
0x223: {  	v3 =	vld [tilespmem:$0x280];
	_ =	sdelay $0x4  }
0x224: {  	v40 =	vshll.u32 v3, $0x1  }
0x225: {  	v3 =	vand.u32 $0x7, v3;
	v4 =	vand.u32 $0xFFFFFFF0, v40  }
0x226: {  	v3 =	vor.u32 v3, v4  }
0x227: {  	v4 =	vperm.xlane v3, v0;
	_ =	sdelay $0x1  }
0x228: {  	v3 =	vperm.xlane v3, v2;
	v4 =	vadd.s32 v1, v4;
	_ =	sdelay $0x1  }
0x229: {  	v3 =	vadd.s32 v1, v3;
	_ =	sdelay $0x2  }
0x22a: {  	[tilespmem:s5], [sflag:$0x7] =	stream.indirect_vreg.gather [hbm4b:s1+s3], $0x80, v4, vm0, $0xb8;
	[tilespmem:$0x1C400] =	vst v63  }
0x22b: {  	s17 =	simm.s32 $0xCC00  }
0x22c: {  	[tilespmem:s17], [sflag:$0x7] =	stream.indirect_vreg.gather [hbm4b:s1+s3], $0x80, v3, vm0, $0xb8;
	[tilespmem:$0x1C400] =	vst v63  }
0x22d: {  	v3 =	vld [tilespmem:$0x290];
	_ =	sdelay $0x4  }
0x22e: {  	v41 =	vshll.u32 v3, $0x1  }
0x22f: {  	v3 =	vand.u32 $0x7, v3;
	v4 =	vand.u32 $0xFFFFFFF0, v41  }
0x230: {  	v3 =	vor.u32 v3, v4  }
0x231: {  	v4 =	vperm.xlane v3, v0;
	_ =	sdelay $0x1  }
0x232: {  	v3 =	vperm.xlane v3, v2;
	v4 =	vadd.s32 v1, v4;
	_ =	sdelay $0x1  }
0x233: {  	v3 =	vadd.s32 v1, v3;
	_ =	sdelay $0x2  }
0x234: {  	[tilespmem:s29], [sflag:$0x7] =	stream.indirect_vreg.gather [hbm4b:s1+s3], $0x80, v4, vm0, $0xb8;
	[tilespmem:$0x1C400] =	vst v63  }
0x235: {  	s19 =	simm.s32 $0xDC00;
	s29 =	simm.s32 $0xA  }
0x236: {  	[tilespmem:s19], [sflag:$0x7] =	stream.indirect_vreg.gather [hbm4b:s1+s3], $0x80, v3, vm0, $0xb8;
	[tilespmem:$0x1C400] =	vst v63  }
0x237: {  	_ =	swait.ge [sflag:s29], $0x2000  }
0x238: {  	s0 =	simm.s32 $0x12400;
	[sflag:s29] =	ssyncset.done $0x0  }
0x239: {  	s30 =	simm.s32 $0x16;
	s22 =	rddreg [dreg:$0xe];
	[sflag:s29] =	ssyncadd.s32 $0xFFFFE000  }
0x23a: {  	[hbm4b:s22+s3] =	stream.linear.scatter [tilespmem:s0], [sflag:$0x18], $0x2000, $0x38;
	[tilespmem:$0x1C400] =	vst v63  }
0x23b: {  	_ =	swait.ge [sflag:s30], $0x2000  }
0x23c: {  	[sflag:s30] =	ssyncset.done $0x0  }
0x23d: {  	[sflag:s30] =	ssyncadd.s32 $0xFFFFE000  }
0x23e: {  	v3 =	vld [tilespmem:$0x2A0];
	_ =	sdelay $0x4  }
0x23f: {  	v42 =	vshll.u32 v3, $0x1  }
0x240: {  	v3 =	vand.u32 $0x7, v3;
	v4 =	vand.u32 $0xFFFFFFF0, v42  }
0x241: {  	v3 =	vor.u32 v3, v4  }
0x242: {  	v4 =	vperm.xlane v3, v0;
	_ =	sdelay $0x1  }
0x243: {  	v3 =	vperm.xlane v3, v2;
	v4 =	vadd.s32 v1, v4;
	_ =	sdelay $0x1  }
0x244: {  	v3 =	vadd.s32 v1, v3;
	_ =	sdelay $0x2  }
0x245: {  	[tilespmem:s8], [sflag:$0x8] =	stream.indirect_vreg.gather [hbm4b:s1+s3], $0x80, v4, vm0, $0xb8;
	[tilespmem:$0x1C400] =	vst v63  }
0x246: {  	s23 =	simm.s32 $0xEC00  }
0x247: {  	[tilespmem:s23], [sflag:$0x8] =	stream.indirect_vreg.gather [hbm4b:s1+s3], $0x80, v3, vm0, $0xb8;
	[tilespmem:$0x1C400] =	vst v63  }
0x248: {  	v3 =	vld [tilespmem:$0x2B0];
	_ =	sdelay $0x4  }
0x249: {  	v43 =	vshll.u32 v3, $0x1  }
0x24a: {  	v3 =	vand.u32 $0x7, v3;
	v4 =	vand.u32 $0xFFFFFFF0, v43  }
0x24b: {  	v3 =	vor.u32 v3, v4  }
0x24c: {  	v4 =	vperm.xlane v3, v0;
	_ =	sdelay $0x1  }
0x24d: {  	v3 =	vperm.xlane v3, v2;
	v4 =	vadd.s32 v1, v4;
	_ =	sdelay $0x1  }
0x24e: {  	v3 =	vadd.s32 v1, v3;
	_ =	sdelay $0x1  }
0x24f: {  	s28 =	simm.s32 $0xF400  }
0x250: {  	[tilespmem:s28], [sflag:$0x8] =	stream.indirect_vreg.gather [hbm4b:s1+s3], $0x80, v4, vm0, $0xb8;
	[tilespmem:$0x1C400] =	vst v63  }
0x251: {  	s31 =	simm.s32 $0xFC00  }
0x252: {  	[tilespmem:s31], [sflag:$0x8] =	stream.indirect_vreg.gather [hbm4b:s1+s3], $0x80, v3, vm0, $0xb8;
	[tilespmem:$0x1C400] =	vst v63  }
0x253: {  	s31 =	simm.s32 $0xB  }
0x254: {  	_ =	swait.ge [sflag:s31], $0x2000  }
0x255: {  	s6 =	simm.s32 $0x14400;
	[sflag:s31] =	ssyncset.done $0x0  }
0x256: {  	s19 =	simm.s32 $0x17;
	s5 =	rddreg [dreg:$0xf];
	[sflag:s31] =	ssyncadd.s32 $0xFFFFE000  }
0x257: {  	[hbm4b:s5+s3] =	stream.linear.scatter [tilespmem:s6], [sflag:$0x19], $0x2000, $0x38;
	[tilespmem:$0x1C400] =	vst v63  }
0x258: {  	_ =	swait.ge [sflag:s19], $0x2000  }
0x259: {  	[sflag:s19] =	ssyncset.done $0x0  }
0x25a: {  	[sflag:s19] =	ssyncadd.s32 $0xFFFFE000  }
0x25b: {  	v3 =	vld [tilespmem:$0x2C0];
	_ =	sdelay $0x4  }
0x25c: {  	v44 =	vshll.u32 v3, $0x1  }
0x25d: {  	v3 =	vand.u32 $0x7, v3;
	v4 =	vand.u32 $0xFFFFFFF0, v44  }
0x25e: {  	v3 =	vor.u32 v3, v4  }
0x25f: {  	v4 =	vperm.xlane v3, v0;
	_ =	sdelay $0x1  }
0x260: {  	v3 =	vperm.xlane v3, v2;
	v4 =	vadd.s32 v1, v4;
	_ =	sdelay $0x1  }
0x261: {  	v3 =	vadd.s32 v1, v3;
	_ =	sdelay $0x2  }
0x262: {  	[tilespmem:s15], [sflag:$0x9] =	stream.indirect_vreg.gather [hbm4b:s1+s3], $0x80, v4, vm0, $0xb8;
	[tilespmem:$0x1C400] =	vst v63  }
0x263: {  	s7 =	simm.s32 $0x10C00  }
0x264: {  	[tilespmem:s7], [sflag:$0x9] =	stream.indirect_vreg.gather [hbm4b:s1+s3], $0x80, v3, vm0, $0xb8;
	[tilespmem:$0x1C400] =	vst v63  }
0x265: {  	v3 =	vld [tilespmem:$0x2D0];
	_ =	sdelay $0x4  }
0x266: {  	v45 =	vshll.u32 v3, $0x1  }
0x267: {  	v3 =	vand.u32 $0x7, v3;
	v4 =	vand.u32 $0xFFFFFFF0, v45  }
0x268: {  	v3 =	vor.u32 v3, v4  }
0x269: {  	v4 =	vperm.xlane v3, v0;
	_ =	sdelay $0x1  }
0x26a: {  	v3 =	vperm.xlane v3, v2;
	v4 =	vadd.s32 v1, v4;
	_ =	sdelay $0x1  }
0x26b: {  	v3 =	vadd.s32 v1, v3;
	_ =	sdelay $0x1  }
0x26c: {  	s8 =	simm.s32 $0x11400  }
0x26d: {  	[tilespmem:s8], [sflag:$0x9] =	stream.indirect_vreg.gather [hbm4b:s1+s3], $0x80, v4, vm0, $0xb8;
	[tilespmem:$0x1C400] =	vst v63  }
0x26e: {  	s9 =	simm.s32 $0x11C00;
	s15 =	simm.s32 $0xC  }
0x26f: {  	[tilespmem:s9], [sflag:$0x9] =	stream.indirect_vreg.gather [hbm4b:s1+s3], $0x80, v3, vm0, $0xb8;
	[tilespmem:$0x1C400] =	vst v63  }
0x270: {  	_ =	swait.ge [sflag:s15], $0x2000  }
0x271: {  	s17 =	simm.s32 $0x16400;
	[sflag:s15] =	ssyncset.done $0x0  }
0x272: {  	s22 =	simm.s32 $0x18;
	s12 =	rddreg [dreg:$0x10];
	[sflag:s15] =	ssyncadd.s32 $0xFFFFE000  }
0x273: {  	[hbm4b:s12+s3] =	stream.linear.scatter [tilespmem:s17], [sflag:$0x1A], $0x2000, $0x38;
	[tilespmem:$0x1C400] =	vst v63  }
0x274: {  	_ =	swait.ge [sflag:s22], $0x2000  }
0x275: {  	[sflag:s22] =	ssyncset.done $0x0  }
0x276: {  	[sflag:s22] =	ssyncadd.s32 $0xFFFFE000  }
0x277: {  	v3 =	vld [tilespmem:$0x2E0];
	_ =	sdelay $0x4  }
0x278: {  	v46 =	vshll.u32 v3, $0x1  }
0x279: {  	v3 =	vand.u32 $0x7, v3;
	v4 =	vand.u32 $0xFFFFFFF0, v46  }
0x27a: {  	v3 =	vor.u32 v3, v4  }
0x27b: {  	v4 =	vperm.xlane v3, v0;
	_ =	sdelay $0x1  }
0x27c: {  	v3 =	vperm.xlane v3, v2;
	v4 =	vadd.s32 v1, v4;
	_ =	sdelay $0x1  }
0x27d: {  	v3 =	vadd.s32 v1, v3;
	_ =	sdelay $0x2  }
0x27e: {  	[tilespmem:s0], [sflag:$0xA] =	stream.indirect_vreg.gather [hbm4b:s1+s3], $0x80, v4, vm0, $0xb8;
	[tilespmem:$0x1C400] =	vst v63  }
0x27f: {  	s23 =	simm.s32 $0x12C00  }
0x280: {  	[tilespmem:s23], [sflag:$0xA] =	stream.indirect_vreg.gather [hbm4b:s1+s3], $0x80, v3, vm0, $0xb8;
	[tilespmem:$0x1C400] =	vst v63  }
0x281: {  	v3 =	vld [tilespmem:$0x2F0];
	_ =	sdelay $0x4  }
0x282: {  	v47 =	vshll.u32 v3, $0x1  }
0x283: {  	v3 =	vand.u32 $0x7, v3;
	v4 =	vand.u32 $0xFFFFFFF0, v47  }
0x284: {  	v3 =	vor.u32 v3, v4  }
0x285: {  	v4 =	vperm.xlane v3, v0;
	_ =	sdelay $0x1  }
0x286: {  	v3 =	vperm.xlane v3, v2;
	v4 =	vadd.s32 v1, v4;
	_ =	sdelay $0x1  }
0x287: {  	v3 =	vadd.s32 v1, v3;
	_ =	sdelay $0x1  }
0x288: {  	s28 =	simm.s32 $0x13400  }
0x289: {  	[tilespmem:s28], [sflag:$0xA] =	stream.indirect_vreg.gather [hbm4b:s1+s3], $0x80, v4, vm0, $0xb8;
	[tilespmem:$0x1C400] =	vst v63  }
0x28a: {  	s2 =	simm.s32 $0x13C00;
	s8 =	simm.s32 $0xD  }
0x28b: {  	[tilespmem:s2], [sflag:$0xA] =	stream.indirect_vreg.gather [hbm4b:s1+s3], $0x80, v3, vm0, $0xb8;
	[tilespmem:$0x1C400] =	vst v63  }
0x28c: {  	_ =	swait.ge [sflag:s8], $0x2000  }
0x28d: {  	s0 =	simm.s32 $0x18400;
	[sflag:s8] =	ssyncset.done $0x0  }
0x28e: {  	s23 =	simm.s32 $0x19;
	s5 =	rddreg [dreg:$0x11];
	[sflag:s8] =	ssyncadd.s32 $0xFFFFE000  }
0x28f: {  	[hbm4b:s5+s3] =	stream.linear.scatter [tilespmem:s0], [sflag:$0x1B], $0x2000, $0x38;
	[tilespmem:$0x1C400] =	vst v63  }
0x290: {  	_ =	swait.ge [sflag:s23], $0x2000  }
0x291: {  	[sflag:s23] =	ssyncset.done $0x0  }
0x292: {  	[sflag:s23] =	ssyncadd.s32 $0xFFFFE000  }
0x293: {  	v3 =	vld [tilespmem:$0x300];
	_ =	sdelay $0x4  }
0x294: {  	v48 =	vshll.u32 v3, $0x1  }
0x295: {  	v3 =	vand.u32 $0x7, v3;
	v4 =	vand.u32 $0xFFFFFFF0, v48  }
0x296: {  	v3 =	vor.u32 v3, v4  }
0x297: {  	v4 =	vperm.xlane v3, v0;
	_ =	sdelay $0x1  }
0x298: {  	v3 =	vperm.xlane v3, v2;
	v4 =	vadd.s32 v1, v4;
	_ =	sdelay $0x1  }
0x299: {  	v3 =	vadd.s32 v1, v3;
	_ =	sdelay $0x2  }
0x29a: {  	[tilespmem:s6], [sflag:$0xB] =	stream.indirect_vreg.gather [hbm4b:s1+s3], $0x80, v4, vm0, $0xb8;
	[tilespmem:$0x1C400] =	vst v63  }
0x29b: {  	s6 =	simm.s32 $0x14C00  }
0x29c: {  	[tilespmem:s6], [sflag:$0xB] =	stream.indirect_vreg.gather [hbm4b:s1+s3], $0x80, v3, vm0, $0xb8;
	[tilespmem:$0x1C400] =	vst v63  }
0x29d: {  	v3 =	vld [tilespmem:$0x310];
	_ =	sdelay $0x4  }
0x29e: {  	v49 =	vshll.u32 v3, $0x1  }
0x29f: {  	v3 =	vand.u32 $0x7, v3;
	v4 =	vand.u32 $0xFFFFFFF0, v49  }
0x2a0: {  	v3 =	vor.u32 v3, v4  }
0x2a1: {  	v4 =	vperm.xlane v3, v0;
	_ =	sdelay $0x1  }
0x2a2: {  	v3 =	vperm.xlane v3, v2;
	v4 =	vadd.s32 v1, v4;
	_ =	sdelay $0x1  }
0x2a3: {  	v3 =	vadd.s32 v1, v3;
	_ =	sdelay $0x1  }
0x2a4: {  	s7 =	simm.s32 $0x15400  }
0x2a5: {  	[tilespmem:s7], [sflag:$0xB] =	stream.indirect_vreg.gather [hbm4b:s1+s3], $0x80, v4, vm0, $0xb8;
	[tilespmem:$0x1C400] =	vst v63  }
0x2a6: {  	s9 =	simm.s32 $0x15C00;
	s28 =	simm.s32 $0xE  }
0x2a7: {  	[tilespmem:s9], [sflag:$0xB] =	stream.indirect_vreg.gather [hbm4b:s1+s3], $0x80, v3, vm0, $0xb8;
	[tilespmem:$0x1C400] =	vst v63  }
0x2a8: {  	_ =	swait.ge [sflag:s28], $0x2000  }
0x2a9: {  	s2 =	simm.s32 $0x1A400;
	[sflag:s28] =	ssyncset.done $0x0  }
0x2aa: {  	s9 =	simm.s32 $0x1A;
	s12 =	rddreg [dreg:$0x12];
	[sflag:s28] =	ssyncadd.s32 $0xFFFFE000  }
0x2ab: {  	[hbm4b:s12+s3] =	stream.linear.scatter [tilespmem:s2], [sflag:$0x1C], $0x2000, $0x38;
	[tilespmem:$0x1C400] =	vst v63  }
0x2ac: {  	_ =	swait.ge [sflag:s9], $0x2000  }
0x2ad: {  	[sflag:s9] =	ssyncset.done $0x0  }
0x2ae: {  	[sflag:s9] =	ssyncadd.s32 $0xFFFFE000  }
0x2af: {  	v3 =	vld [tilespmem:$0x320];
	_ =	sdelay $0x4  }
0x2b0: {  	v50 =	vshll.u32 v3, $0x1  }
0x2b1: {  	v3 =	vand.u32 $0x7, v3;
	v4 =	vand.u32 $0xFFFFFFF0, v50  }
0x2b2: {  	v3 =	vor.u32 v3, v4  }
0x2b3: {  	v4 =	vperm.xlane v3, v0;
	_ =	sdelay $0x1  }
0x2b4: {  	v3 =	vperm.xlane v3, v2;
	v4 =	vadd.s32 v1, v4;
	_ =	sdelay $0x1  }
0x2b5: {  	v3 =	vadd.s32 v1, v3;
	_ =	sdelay $0x2  }
0x2b6: {  	[tilespmem:s17], [sflag:$0xC] =	stream.indirect_vreg.gather [hbm4b:s1+s3], $0x80, v4, vm0, $0xb8;
	[tilespmem:$0x1C400] =	vst v63  }
0x2b7: {  	s17 =	simm.s32 $0x16C00  }
0x2b8: {  	[tilespmem:s17], [sflag:$0xC] =	stream.indirect_vreg.gather [hbm4b:s1+s3], $0x80, v3, vm0, $0xb8;
	[tilespmem:$0x1C400] =	vst v63  }
0x2b9: {  	v3 =	vld [tilespmem:$0x330];
	_ =	sdelay $0x4  }
0x2ba: {  	v51 =	vshll.u32 v3, $0x1  }
0x2bb: {  	v3 =	vand.u32 $0x7, v3;
	v4 =	vand.u32 $0xFFFFFFF0, v51  }
0x2bc: {  	v3 =	vor.u32 v3, v4  }
0x2bd: {  	v4 =	vperm.xlane v3, v0;
	_ =	sdelay $0x1  }
0x2be: {  	v3 =	vperm.xlane v3, v2;
	v4 =	vadd.s32 v1, v4;
	_ =	sdelay $0x1  }
0x2bf: {  	v3 =	vadd.s32 v1, v3;
	_ =	sdelay $0x1  }
0x2c0: {  	s5 =	simm.s32 $0x17400  }
0x2c1: {  	[tilespmem:s5], [sflag:$0xC] =	stream.indirect_vreg.gather [hbm4b:s1+s3], $0x80, v4, vm0, $0xb8;
	[tilespmem:$0x1C400] =	vst v63  }
0x2c2: {  	s6 =	simm.s32 $0x17C00;
	s7 =	simm.s32 $0x1  }
0x2c3: {  	[tilespmem:s6], [sflag:$0xC] =	stream.indirect_vreg.gather [hbm4b:s1+s3], $0x80, v3, vm0, $0xb8;
	[tilespmem:$0x1C400] =	vst v63  }
0x2c4: {  	_ =	swait.ge [sflag:s7], $0x2000  }
0x2c5: {  	s4 =	simm.s32 $0x400;
	[sflag:s7] =	ssyncset.done $0x0  }
0x2c6: {  	s12 =	rddreg [dreg:$0x13];
	[sflag:s7] =	ssyncadd.s32 $0xFFFFE000;
	s7 =	simm.s32 $0x1B  }
0x2c7: {  	[hbm4b:s12+s3] =	stream.linear.scatter [tilespmem:s4], [sflag:$0xF], $0x2000, $0x38;
	[tilespmem:$0x1C400] =	vst v63  }
0x2c8: {  	_ =	swait.ge [sflag:s7], $0x2000  }
0x2c9: {  	[sflag:s7] =	ssyncset.done $0x0  }
0x2ca: {  	[sflag:s7] =	ssyncadd.s32 $0xFFFFE000  }
0x2cb: {  	v3 =	vld [tilespmem:$0x340];
	_ =	sdelay $0x4  }
0x2cc: {  	v52 =	vshll.u32 v3, $0x1  }
0x2cd: {  	v3 =	vand.u32 $0x7, v3;
	v4 =	vand.u32 $0xFFFFFFF0, v52  }
0x2ce: {  	v3 =	vor.u32 v3, v4  }
0x2cf: {  	v4 =	vperm.xlane v3, v0;
	_ =	sdelay $0x1  }
0x2d0: {  	v3 =	vperm.xlane v3, v2;
	v4 =	vadd.s32 v1, v4;
	_ =	sdelay $0x1  }
0x2d1: {  	v3 =	vadd.s32 v1, v3;
	_ =	sdelay $0x2  }
0x2d2: {  	[tilespmem:s0], [sflag:$0xD] =	stream.indirect_vreg.gather [hbm4b:s1+s3], $0x80, v4, vm0, $0xb8;
	[tilespmem:$0x1C400] =	vst v63  }
0x2d3: {  	s16 =	simm.s32 $0x18C00  }
0x2d4: {  	[tilespmem:s16], [sflag:$0xD] =	stream.indirect_vreg.gather [hbm4b:s1+s3], $0x80, v3, vm0, $0xb8;
	[tilespmem:$0x1C400] =	vst v63  }
0x2d5: {  	v3 =	vld [tilespmem:$0x350];
	_ =	sdelay $0x4  }
0x2d6: {  	v53 =	vshll.u32 v3, $0x1  }
0x2d7: {  	v3 =	vand.u32 $0x7, v3;
	v4 =	vand.u32 $0xFFFFFFF0, v53  }
0x2d8: {  	v3 =	vor.u32 v3, v4  }
0x2d9: {  	v4 =	vperm.xlane v3, v0;
	_ =	sdelay $0x1  }
0x2da: {  	v3 =	vperm.xlane v3, v2;
	v4 =	vadd.s32 v1, v4;
	_ =	sdelay $0x1  }
0x2db: {  	v3 =	vadd.s32 v1, v3;
	_ =	sdelay $0x1  }
0x2dc: {  	s5 =	simm.s32 $0x19400  }
0x2dd: {  	[tilespmem:s5], [sflag:$0xD] =	stream.indirect_vreg.gather [hbm4b:s1+s3], $0x80, v4, vm0, $0xb8;
	[tilespmem:$0x1C400] =	vst v63  }
0x2de: {  	s6 =	simm.s32 $0x19C00  }
0x2df: {  	[tilespmem:s6], [sflag:$0xD] =	stream.indirect_vreg.gather [hbm4b:s1+s3], $0x80, v3, vm0, $0xb8;
	[tilespmem:$0x1C400] =	vst v63  }
0x2e0: {  	_ =	swait.ge [sflag:s24], $0x2000  }
0x2e1: {  	s0 =	simm.s32 $0x2400;
	[sflag:s24] =	ssyncset.done $0x0  }
0x2e2: {  	s6 =	simm.s32 $0x1C;
	s12 =	rddreg [dreg:$0x14];
	[sflag:s24] =	ssyncadd.s32 $0xFFFFE000  }
0x2e3: {  	[hbm4b:s12+s3] =	stream.linear.scatter [tilespmem:s0], [sflag:$0x10], $0x2000, $0x38;
	[tilespmem:$0x1C400] =	vst v63  }
0x2e4: {  	_ =	swait.ge [sflag:s6], $0x2000  }
0x2e5: {  	[sflag:s6] =	ssyncset.done $0x0  }
0x2e6: {  	[sflag:s6] =	ssyncadd.s32 $0xFFFFE000  }
0x2e7: {  	v3 =	vld [tilespmem:$0x360];
	_ =	sdelay $0x4  }
0x2e8: {  	v54 =	vshll.u32 v3, $0x1  }
0x2e9: {  	v3 =	vand.u32 $0x7, v3;
	v4 =	vand.u32 $0xFFFFFFF0, v54  }
0x2ea: {  	v3 =	vor.u32 v3, v4  }
0x2eb: {  	v4 =	vperm.xlane v3, v0;
	_ =	sdelay $0x1  }
0x2ec: {  	v3 =	vperm.xlane v3, v2;
	v4 =	vadd.s32 v1, v4;
	_ =	sdelay $0x1  }
0x2ed: {  	v3 =	vadd.s32 v1, v3;
	_ =	sdelay $0x2  }
0x2ee: {  	[tilespmem:s2], [sflag:$0xE] =	stream.indirect_vreg.gather [hbm4b:s1+s3], $0x80, v4, vm0, $0xb8;
	[tilespmem:$0x1C400] =	vst v63  }
0x2ef: {  	s5 =	simm.s32 $0x1AC00  }
0x2f0: {  	[tilespmem:s5], [sflag:$0xE] =	stream.indirect_vreg.gather [hbm4b:s1+s3], $0x80, v3, vm0, $0xb8;
	[tilespmem:$0x1C400] =	vst v63  }
0x2f1: {  	v3 =	vld [tilespmem:$0x370];
	_ =	sdelay $0x4  }
0x2f2: {  	v55 =	vshll.u32 v3, $0x1  }
0x2f3: {  	v3 =	vand.u32 $0x7, v3;
	v4 =	vand.u32 $0xFFFFFFF0, v55  }
0x2f4: {  	v3 =	vor.u32 v3, v4  }
0x2f5: {  	v4 =	vperm.xlane v3, v0;
	_ =	sdelay $0x1  }
0x2f6: {  	v3 =	vperm.xlane v3, v2;
	v4 =	vadd.s32 v1, v4;
	_ =	sdelay $0x1  }
0x2f7: {  	v3 =	vadd.s32 v1, v3;
	_ =	sdelay $0x1  }
0x2f8: {  	s12 =	simm.s32 $0x1B400  }
0x2f9: {  	[tilespmem:s12], [sflag:$0xE] =	stream.indirect_vreg.gather [hbm4b:s1+s3], $0x80, v4, vm0, $0xb8;
	[tilespmem:$0x1C400] =	vst v63  }
0x2fa: {  	s16 =	simm.s32 $0x1BC00  }
0x2fb: {  	[tilespmem:s16], [sflag:$0xE] =	stream.indirect_vreg.gather [hbm4b:s1+s3], $0x80, v3, vm0, $0xb8;
	[tilespmem:$0x1C400] =	vst v63  }
0x2fc: {  	_ =	swait.ge [sflag:s18], $0x2000  }
0x2fd: {  	s5 =	simm.s32 $0x4400;
	[sflag:s18] =	ssyncset.done $0x0  }
0x2fe: {  	s12 =	simm.s32 $0xF;
	s2 =	rddreg [dreg:$0x15];
	[sflag:s18] =	ssyncadd.s32 $0xFFFFE000  }
0x2ff: {  	[hbm4b:s2+s3] =	stream.linear.scatter [tilespmem:s5], [sflag:$0x11], $0x2000, $0x38;
	[tilespmem:$0x1C400] =	vst v63  }
0x300: {  	_ =	swait.ge [sflag:s12], $0x2000  }
0x301: {  	[sflag:s12] =	ssyncset.done $0x0  }
0x302: {  	[sflag:s12] =	ssyncadd.s32 $0xFFFFE000  }
0x303: {  	v3 =	vld [tilespmem:$0x380];
	_ =	sdelay $0x4  }
0x304: {  	v56 =	vshll.u32 v3, $0x1  }
0x305: {  	v3 =	vand.u32 $0x7, v3;
	v4 =	vand.u32 $0xFFFFFFF0, v56  }
0x306: {  	v3 =	vor.u32 v3, v4  }
0x307: {  	v4 =	vperm.xlane v3, v0;
	_ =	sdelay $0x1  }
0x308: {  	v3 =	vperm.xlane v3, v2;
	v4 =	vadd.s32 v1, v4;
	_ =	sdelay $0x1  }
0x309: {  	v3 =	vadd.s32 v1, v3;
	_ =	sdelay $0x2  }
0x30a: {  	[tilespmem:s4], [sflag:$0x1] =	stream.indirect_vreg.gather [hbm4b:s1+s3], $0x80, v4, vm0, $0xb8;
	[tilespmem:$0x1C400] =	vst v63  }
0x30b: {  	s16 =	simm.s32 $0xC00  }
0x30c: {  	[tilespmem:s16], [sflag:$0x1] =	stream.indirect_vreg.gather [hbm4b:s1+s3], $0x80, v3, vm0, $0xb8;
	[tilespmem:$0x1C400] =	vst v63  }
0x30d: {  	v3 =	vld [tilespmem:$0x390];
	_ =	sdelay $0x4  }
0x30e: {  	v57 =	vshll.u32 v3, $0x1  }
0x30f: {  	v3 =	vand.u32 $0x7, v3;
	v4 =	vand.u32 $0xFFFFFFF0, v57  }
0x310: {  	v3 =	vor.u32 v3, v4  }
0x311: {  	v4 =	vperm.xlane v3, v0;
	_ =	sdelay $0x1  }
0x312: {  	v3 =	vperm.xlane v3, v2;
	v4 =	vadd.s32 v1, v4;
	_ =	sdelay $0x1  }
0x313: {  	v3 =	vadd.s32 v1, v3;
	_ =	sdelay $0x1  }
0x314: {  	s4 =	simm.s32 $0x1400  }
0x315: {  	[tilespmem:s4], [sflag:$0x1] =	stream.indirect_vreg.gather [hbm4b:s1+s3], $0x80, v4, vm0, $0xb8;
	[tilespmem:$0x1C400] =	vst v63  }
0x316: {  	s16 =	simm.s32 $0x1C00  }
0x317: {  	[tilespmem:s16], [sflag:$0x1] =	stream.indirect_vreg.gather [hbm4b:s1+s3], $0x80, v3, vm0, $0xb8;
	[tilespmem:$0x1C400] =	vst v63  }
0x318: {  	_ =	swait.ge [sflag:s14], $0x2000  }
0x319: {  	[sflag:s14] =	ssyncset.done $0x0  }
0x31a: {  	s4 =	simm.s32 $0x6400;
	s2 =	rddreg [dreg:$0x16];
	[sflag:s14] =	ssyncadd.s32 $0xFFFFE000  }
0x31b: {  	[hbm4b:s2+s3] =	stream.linear.scatter [tilespmem:s4], [sflag:$0x12], $0x2000, $0x38;
	[tilespmem:$0x1C400] =	vst v63  }
0x31c: {  	_ =	swait.ge [sflag:s21], $0x2000  }
0x31d: {  	[sflag:s21] =	ssyncset.done $0x0  }
0x31e: {  	[sflag:s21] =	ssyncadd.s32 $0xFFFFE000  }
0x31f: {  	v3 =	vld [tilespmem:$0x3A0];
	_ =	sdelay $0x4  }
0x320: {  	v58 =	vshll.u32 v3, $0x1  }
0x321: {  	v3 =	vand.u32 $0x7, v3;
	v4 =	vand.u32 $0xFFFFFFF0, v58  }
0x322: {  	v3 =	vor.u32 v3, v4  }
0x323: {  	v4 =	vperm.xlane v3, v0;
	_ =	sdelay $0x1  }
0x324: {  	v3 =	vperm.xlane v3, v2;
	v4 =	vadd.s32 v1, v4;
	_ =	sdelay $0x1  }
0x325: {  	v3 =	vadd.s32 v1, v3;
	_ =	sdelay $0x2  }
0x326: {  	[tilespmem:s0], [sflag:$0x2] =	stream.indirect_vreg.gather [hbm4b:s1+s3], $0x80, v4, vm0, $0xb8;
	[tilespmem:$0x1C400] =	vst v63  }
0x327: {  	s16 =	simm.s32 $0x2C00  }
0x328: {  	[tilespmem:s16], [sflag:$0x2] =	stream.indirect_vreg.gather [hbm4b:s1+s3], $0x80, v3, vm0, $0xb8;
	[tilespmem:$0x1C400] =	vst v63  }
0x329: {  	v3 =	vld [tilespmem:$0x3B0];
	_ =	sdelay $0x4  }
0x32a: {  	v59 =	vshll.u32 v3, $0x1  }
0x32b: {  	v3 =	vand.u32 $0x7, v3;
	v4 =	vand.u32 $0xFFFFFFF0, v59  }
0x32c: {  	v3 =	vor.u32 v3, v4  }
0x32d: {  	v4 =	vperm.xlane v3, v0;
	_ =	sdelay $0x1  }
0x32e: {  	v3 =	vperm.xlane v3, v2;
	v4 =	vadd.s32 v1, v4;
	_ =	sdelay $0x1  }
0x32f: {  	v3 =	vadd.s32 v1, v3;
	_ =	sdelay $0x1  }
0x330: {  	s2 =	simm.s32 $0x3400  }
0x331: {  	[tilespmem:s2], [sflag:$0x2] =	stream.indirect_vreg.gather [hbm4b:s1+s3], $0x80, v4, vm0, $0xb8;
	[tilespmem:$0x1C400] =	vst v63  }
0x332: {  	s16 =	simm.s32 $0x3C00;
	s2 =	simm.s32 $0x5  }
0x333: {  	[tilespmem:s16], [sflag:$0x2] =	stream.indirect_vreg.gather [hbm4b:s1+s3], $0x80, v3, vm0, $0xb8;
	[tilespmem:$0x1C400] =	vst v63  }
0x334: {  	_ =	swait.ge [sflag:s2], $0x2000  }
0x335: {  	[sflag:s2] =	ssyncset.done $0x0  }
0x336: {  	s16 =	rddreg [dreg:$0x17];
	[sflag:s2] =	ssyncadd.s32 $0xFFFFE000;
	s2 =	simm.s32 $0x8400  }
0x337: {  	[hbm4b:s16+s3] =	stream.linear.scatter [tilespmem:s2], [sflag:$0x13], $0x2000, $0x38;
	[tilespmem:$0x1C400] =	vst v63  }
0x338: {  	_ =	swait.ge [sflag:s20], $0x2000  }
0x339: {  	[sflag:s20] =	ssyncset.done $0x0  }
0x33a: {  	[sflag:s20] =	ssyncadd.s32 $0xFFFFE000  }
0x33b: {  	v3 =	vld [tilespmem:$0x3C0];
	_ =	sdelay $0x4  }
0x33c: {  	v60 =	vshll.u32 v3, $0x1  }
0x33d: {  	v3 =	vand.u32 $0x7, v3;
	v4 =	vand.u32 $0xFFFFFFF0, v60  }
0x33e: {  	v3 =	vor.u32 v3, v4  }
0x33f: {  	v4 =	vperm.xlane v3, v0;
	_ =	sdelay $0x1  }
0x340: {  	v3 =	vperm.xlane v3, v2;
	v4 =	vadd.s32 v1, v4;
	_ =	sdelay $0x1  }
0x341: {  	v3 =	vadd.s32 v1, v3;
	_ =	sdelay $0x2  }
0x342: {  	[tilespmem:s5], [sflag:$0x3] =	stream.indirect_vreg.gather [hbm4b:s1+s3], $0x80, v4, vm0, $0xb8;
	[tilespmem:$0x1C400] =	vst v63  }
0x343: {  	s5 =	simm.s32 $0x4C00  }
0x344: {  	[tilespmem:s5], [sflag:$0x3] =	stream.indirect_vreg.gather [hbm4b:s1+s3], $0x80, v3, vm0, $0xb8;
	[tilespmem:$0x1C400] =	vst v63  }
0x345: {  	v3 =	vld [tilespmem:$0x3D0];
	_ =	sdelay $0x4  }
0x346: {  	v61 =	vshll.u32 v3, $0x1  }
0x347: {  	v3 =	vand.u32 $0x7, v3;
	v4 =	vand.u32 $0xFFFFFFF0, v61  }
0x348: {  	v3 =	vor.u32 v3, v4  }
0x349: {  	v4 =	vperm.xlane v3, v0;
	_ =	sdelay $0x1  }
0x34a: {  	v3 =	vperm.xlane v3, v2;
	v4 =	vadd.s32 v1, v4;
	_ =	sdelay $0x1  }
0x34b: {  	v3 =	vadd.s32 v1, v3;
	_ =	sdelay $0x1  }
0x34c: {  	s16 =	simm.s32 $0x5400  }
0x34d: {  	[tilespmem:s16], [sflag:$0x3] =	stream.indirect_vreg.gather [hbm4b:s1+s3], $0x80, v4, vm0, $0xb8;
	[tilespmem:$0x1C400] =	vst v63  }
0x34e: {  	s5 =	simm.s32 $0x5C00  }
0x34f: {  	[tilespmem:s5], [sflag:$0x3] =	stream.indirect_vreg.gather [hbm4b:s1+s3], $0x80, v3, vm0, $0xb8;
	[tilespmem:$0x1C400] =	vst v63  }
0x350: {  	_ =	swait.ge [sflag:s26], $0x2000  }
0x351: {  	[sflag:s26] =	ssyncset.done $0x0  }
0x352: {  	s5 =	simm.s32 $0xA400;
	s16 =	rddreg [dreg:$0x18];
	[sflag:s26] =	ssyncadd.s32 $0xFFFFE000  }
0x353: {  	[hbm4b:s16+s3] =	stream.linear.scatter [tilespmem:s5], [sflag:$0x14], $0x2000, $0x38;
	[tilespmem:$0x1C400] =	vst v63  }
0x354: {  	s2 =	sld [smem:$0x7F6];
	_ =	swait.ge [sflag:s10], $0x2000  }
0x355: {  	[sflag:s10] =	ssyncset.done $0x0  }
0x356: {  	[sflag:s10] =	ssyncadd.s32 $0xFFFFE000  }
0x357: {  	v3 =	vld [tilespmem:$0x3E0];
	_ =	sdelay $0x4  }
0x358: {  	v62 =	vshll.u32 v3, $0x1  }
0x359: {  	v3 =	vand.u32 $0x7, v3;
	v4 =	vand.u32 $0xFFFFFFF0, v62  }
0x35a: {  	v3 =	vor.u32 v3, v4  }
0x35b: {  	v4 =	vperm.xlane v3, v0;
	_ =	sdelay $0x1  }
0x35c: {  	v3 =	vperm.xlane v3, v2;
	v4 =	vadd.s32 v1, v4;
	_ =	sdelay $0x1  }
0x35d: {  	v3 =	vadd.s32 v1, v3;
	_ =	sdelay $0x2  }
0x35e: {  	[tilespmem:s4], [sflag:$0x4] =	stream.indirect_vreg.gather [hbm4b:s1+s3], $0x80, v4, vm0, $0xb8;
	[tilespmem:$0x1C400] =	vst v63  }
0x35f: {  	s16 =	simm.s32 $0x6C00  }
0x360: {  	[tilespmem:s16], [sflag:$0x4] =	stream.indirect_vreg.gather [hbm4b:s1+s3], $0x80, v3, vm0, $0xb8;
	[tilespmem:$0x1C400] =	vst v63  }
0x361: {  	v3 =	vld [tilespmem:$0x3F0];
	_ =	sdelay $0x4  }
0x362: {  	v63 =	vshll.u32 v3, $0x1  }
0x363: {  	v3 =	vand.u32 $0x7, v3;
	v4 =	vand.u32 $0xFFFFFFF0, v63  }
0x364: {  	v3 =	vor.u32 v3, v4  }
0x365: {  	v4 =	vperm.xlane v3, v0;
	_ =	sdelay $0x1  }
0x366: {  	v3 =	vperm.xlane v3, v2;
	v4 =	vadd.s32 v1, v4;
	_ =	sdelay $0x1  }
0x367: {  	v3 =	vadd.s32 v1, v3;
	_ =	sdelay $0x1  }
0x368: {  	s16 =	simm.s32 $0x7400  }
0x369: {  	[tilespmem:s16], [sflag:$0x4] =	stream.indirect_vreg.gather [hbm4b:s1+s3], $0x80, v4, vm0, $0xb8;
	[tilespmem:$0x1C400] =	vst v63  }
0x36a: {  	s16 =	simm.s32 $0x7C00  }
0x36b: {  	[tilespmem:s16], [sflag:$0x4] =	stream.indirect_vreg.gather [hbm4b:s1+s3], $0x80, v3, vm0, $0xb8;
	[tilespmem:$0x1C400] =	vst v63  }
0x36c: {  	_ =	swait.ge [sflag:s25], $0x2000  }
0x36d: {  	[sflag:s25] =	ssyncset.done $0x0  }
0x36e: {  	s5 =	rddreg [dreg:$0x19];
	[sflag:s25] =	ssyncadd.s32 $0xFFFFE000;
	s25 =	simm.s32 $0xC400  }
0x36f: {  	[hbm4b:s5+s3] =	stream.linear.scatter [tilespmem:s25], [sflag:$0x15], $0x2000, $0x38;
	[tilespmem:$0x1C400] =	vst v63  }
0x370: {  	_ =	swait.ge [sflag:s13], $0x2000  }
0x371: {  	[sflag:s13] =	ssyncset.done $0x0  }
0x372: {  	s25 =	simm.s32 $0xE400;
	s5 =	rddreg [dreg:$0x1a];
	[sflag:s13] =	ssyncadd.s32 $0xFFFFE000  }
0x373: {  	[hbm4b:s5+s3] =	stream.linear.scatter [tilespmem:s25], [sflag:$0x16], $0x2000, $0x38;
	[tilespmem:$0x1C400] =	vst v63  }
0x374: {  	_ =	swait.ge [sflag:s11], $0x2000  }
0x375: {  	[sflag:s11] =	ssyncset.done $0x0  }
0x376: {  	s5 =	rddreg [dreg:$0x1b];
	[sflag:s11] =	ssyncadd.s32 $0xFFFFE000;
	s11 =	simm.s32 $0x10400  }
0x377: {  	[hbm4b:s5+s3] =	stream.linear.scatter [tilespmem:s11], [sflag:$0x17], $0x2000, $0x38;
	[tilespmem:$0x1C400] =	vst v63  }
0x378: {  	_ =	swait.ge [sflag:s29], $0x2000  }
0x379: {  	[sflag:s29] =	ssyncset.done $0x0  }
0x37a: {  	s25 =	simm.s32 $0x12400;
	s13 =	rddreg [dreg:$0x1c];
	[sflag:s29] =	ssyncadd.s32 $0xFFFFE000  }
0x37b: {  	[hbm4b:s13+s3] =	stream.linear.scatter [tilespmem:s25], [sflag:$0x18], $0x2000, $0x38;
	[tilespmem:$0x1C400] =	vst v63  }
0x37c: {  	_ =	swait.ge [sflag:s31], $0x2000  }
0x37d: {  	[sflag:s31] =	ssyncset.done $0x0  }
0x37e: {  	s29 =	rddreg [dreg:$0x1d];
	[sflag:s31] =	ssyncadd.s32 $0xFFFFE000;
	s31 =	simm.s32 $0x14400  }
0x37f: {  	[hbm4b:s29+s3] =	stream.linear.scatter [tilespmem:s31], [sflag:$0x19], $0x2000, $0x38;
	[tilespmem:$0x1C400] =	vst v63  }
0x380: {  	_ =	swait.ge [sflag:s15], $0x2000  }
0x381: {  	[sflag:s15] =	ssyncset.done $0x0  }
0x382: {  	s13 =	simm.s32 $0x16400;
	s11 =	rddreg [dreg:$0x1e];
	[sflag:s15] =	ssyncadd.s32 $0xFFFFE000  }
0x383: {  	[hbm4b:s11+s3] =	stream.linear.scatter [tilespmem:s13], [sflag:$0x1A], $0x2000, $0x38;
	[tilespmem:$0x1C400] =	vst v63  }
0x384: {  	_ =	swait.ge [sflag:s8], $0x2000  }
0x385: {  	[sflag:s8] =	ssyncset.done $0x0  }
0x386: {  	s25 =	simm.s32 $0x18400;
	s15 =	rddreg [dreg:$0x1f];
	[sflag:s8] =	ssyncadd.s32 $0xFFFFE000  }
0x387: {  	[hbm4b:s15+s3] =	stream.linear.scatter [tilespmem:s25], [sflag:$0x1B], $0x2000, $0x38;
	[tilespmem:$0x1C400] =	vst v63  }
0x388: {  	_ =	swait.ge [sflag:s28], $0x2000  }
0x389: {  	s29 =	sld [smem:$0x7F7]  }
0x38a: {  	[sflag:s28] =	ssyncset.done $0x0  }
0x38b: {  	s17 =	simm.s32 $0x1;
	s31 =	simm.s32 $0x1A400;
	[sflag:s28] =	ssyncadd.s32 $0xFFFFE000  }
0x38c: {  	[hbm4b:s29+s3] =	stream.linear.scatter [tilespmem:s31], [sflag:$0x1C], $0x2000, $0x38;
	[tilespmem:$0x1C400] =	vst v63  }
0x38d: {  	_ =	swait.ge [sflag:s17], $0x2000  }
0x38e: {  	s8 =	sld [smem:$0x7F8]  }
0x38f: {  	[sflag:s17] =	ssyncset.done $0x0  }
0x390: {  	s11 =	simm.s32 $0x400;
	[sflag:s17] =	ssyncadd.s32 $0xFFFFE000  }
0x391: {  	[hbm4b:s8+s3] =	stream.linear.scatter [tilespmem:s11], [sflag:$0xF], $0x2000, $0x38;
	[tilespmem:$0x1C400] =	vst v63  }
0x392: {  	_ =	swait.ge [sflag:s24], $0x2000  }
0x393: {  	s13 =	sld [smem:$0x7F9]  }
0x394: {  	[sflag:s24] =	ssyncset.done $0x0  }
0x395: {  	s15 =	simm.s32 $0x2400;
	[sflag:s24] =	ssyncadd.s32 $0xFFFFE000  }
0x396: {  	[hbm4b:s13+s3] =	stream.linear.scatter [tilespmem:s15], [sflag:$0x10], $0x2000, $0x38;
	[tilespmem:$0x1C400] =	vst v63  }
0x397: {  	_ =	swait.ge [sflag:s18], $0x2000  }
0x398: {  	s17 =	sld [smem:$0x7FA]  }
0x399: {  	[sflag:s18] =	ssyncset.done $0x0  }
0x39a: {  	s0 =	simm.s32 $0x4400;
	[sflag:s18] =	ssyncadd.s32 $0xFFFFE000  }
0x39b: {  	[hbm4b:s17+s3] =	stream.linear.scatter [tilespmem:s0], [sflag:$0x11], $0x2000, $0x38;
	[tilespmem:$0x1C400] =	vst v63  }
0x39c: {  	_ =	swait.ge [sflag:s14], $0x2000  }
0x39d: {  	s25 =	sld [smem:$0x7FC]  }
0x39e: {  	[sflag:s14] =	ssyncset.done $0x0  }
0x39f: {  	s4 =	simm.s32 $0x6400;
	s28 =	simm.s32 $0x13;
	[sflag:s14] =	ssyncadd.s32 $0xFFFFE000  }
0x3a0: {  	[hbm4b:s25+s3] =	stream.linear.scatter [tilespmem:s4], [sflag:$0x12], $0x2000, $0x38;
	[tilespmem:$0x1C400] =	vst v63  }
0x3a1: {  	_ =	swait.ge [sflag:s28], $0x2000  }
0x3a2: {  	[sflag:s28] =	ssyncset.done $0x0  }
0x3a3: {  	s29 =	simm.s32 $0x14;
	[sflag:s28] =	ssyncadd.s32 $0xFFFFE000  }
0x3a4: {  	_ =	swait.ge [sflag:s29], $0x2000  }
0x3a5: {  	[sflag:s29] =	ssyncset.done $0x0  }
0x3a6: {  	s31 =	simm.s32 $0x15;
	[sflag:s29] =	ssyncadd.s32 $0xFFFFE000  }
0x3a7: {  	_ =	swait.ge [sflag:s31], $0x2000  }
0x3a8: {  	[sflag:s31] =	ssyncset.done $0x0  }
0x3a9: {  	[sflag:s31] =	ssyncadd.s32 $0xFFFFE000  }
0x3aa: {  	_ =	swait.ge [sflag:s30], $0x2000  }
0x3ab: {  	[sflag:s30] =	ssyncset.done $0x0  }
0x3ac: {  	[sflag:s30] =	ssyncadd.s32 $0xFFFFE000  }
0x3ad: {  	_ =	swait.ge [sflag:s19], $0x2000  }
0x3ae: {  	[sflag:s19] =	ssyncset.done $0x0  }
0x3af: {  	[sflag:s19] =	ssyncadd.s32 $0xFFFFE000  }
0x3b0: {  	_ =	swait.ge [sflag:s22], $0x2000  }
0x3b1: {  	[sflag:s22] =	ssyncset.done $0x0  }
0x3b2: {  	[sflag:s22] =	ssyncadd.s32 $0xFFFFE000  }
0x3b3: {  	_ =	swait.ge [sflag:s23], $0x2000  }
0x3b4: {  	[sflag:s23] =	ssyncset.done $0x0  }
0x3b5: {  	[sflag:s23] =	ssyncadd.s32 $0xFFFFE000  }
0x3b6: {  	_ =	swait.ge [sflag:s9], $0x2000  }
0x3b7: {  	[sflag:s9] =	ssyncset.done $0x0  }
0x3b8: {  	[sflag:s9] =	ssyncadd.s32 $0xFFFFE000  }
0x3b9: {  	_ =	swait.ge [sflag:s7], $0x2000  }
0x3ba: {  	[sflag:s7] =	ssyncset.done $0x0  }
0x3bb: {  	[sflag:s7] =	ssyncadd.s32 $0xFFFFE000  }
0x3bc: {  	_ =	swait.ge [sflag:s6], $0x2000  }
0x3bd: {  	[sflag:s6] =	ssyncset.done $0x0  }
0x3be: {  	s12 =	simm.s32 $0xF;
	[sflag:s6] =	ssyncadd.s32 $0xFFFFE000  }
0x3bf: {  	_ =	swait.ge [sflag:s12], $0x2000  }
0x3c0: {  	[sflag:s12] =	ssyncset.done $0x0  }
0x3c1: {  	[sflag:s12] =	ssyncadd.s32 $0xFFFFE000  }
0x3c2: {  	_ =	swait.ge [sflag:s21], $0x2000  }
0x3c3: {  	[sflag:s21] =	ssyncset.done $0x0  }
0x3c4: {  	[sflag:s21] =	ssyncadd.s32 $0xFFFFE000  }
0x3c5: {  	p0 =	sne.s32 s2, $0x1;
	_ =	swait.ge [sflag:s20], $0x2000  }
.Ltmp0:
0x3c6: {  	[sflag:s20] =	ssyncset.done $0x0;
	(pc) =	sbr.rel @p0 .LBB2_1-.Ltmp0, $4  }
0x3c7: {  	[sflag:s20] =	ssyncadd.s32 $0xFFFFE000  }
0x3c8: {  	_ =	swait.ge [sflag:s10], $0x2000  }
0x3c9: {  	[sflag:s10] =	ssyncset.done $0x0  }
0x3ca: {  	s2 =	sadd.s32 $0xFFFFFFFF, s2;
	[sflag:s10] =	ssyncadd.s32 $0xFFFFE000  }
0x3cb: {  	_ =	sfence.sel $0x180000  }
0x3cc: {  	[bflag:$0x0] =	sbarrier.arrive $0xFFFF  }
0x3cd: {  	_ =	strace $0x90000047  }
0x3ce: {  	s0 =	stileid.u32;
	[bflag:$0x2] =	sbarrier.arrive $0xFFFF  }
0x3cf: {  	p0 =	sne.s32 s0, $0x0;
	s0 =	rddreg [dreg:$0x3]  }
0x3d0: {  	s0 =	sadd.s32 @!p0 $0x100000, s0  }
0x3d1: {  	[sflag:s0] =	ssyncadd.tile.s32 @!p0 $0x1;
	_ =	shalt  }
.Lfunc_end2:
_tile_overlayer_lowered:
.L_overlay_start_2:
0x3d2: {  	(tag) =	ssettag $0x2  }
0x3d3: {  	s0 =	rddreg [dreg:$0x0];
	s2 =	stileid.u32  }
0x3d4: {  	s1 =	rddreg [dreg:$0x1];
	p0 =	sne.s32 s2, $0x0  }
0x3d5: {  	s3 =	rddreg [dreg:$0x2];
	[bflag:$0x3] =	sbarrier.arrive $0xFFFF;
	s2 =	simm.s32 @!p0 $0x1C1D  }
0x3d6: {  	[timem:s3], [sflag:s2] =	dma.local @!p0 [hbm:s0], s1  }
0x3d7: {  	s0 =	simm.s32 @!p0 $0x1D  }
0x3d8: {  	_ =	swait.ge @!p0 [sflag:s0], s1  }
0x3d9: {  	s1 =	ssub.s32 @!p0 $0x0, s1;
	[sflag:s0] =	ssyncset.done @!p0 $0x0  }
0x3da: {  	[sflag:s0] =	ssyncadd.s32 @!p0 s1  }
0x3db: {  	[bflag:$0x3] =	sbarrier.arrive $0xFFFF  }
0x3dc: {  	_ =	shalt  }

</sc_bundles>
